<compile_context>
chip_gen: v7x
topology: tpu7x:2x2x1
jax: 0.10.2.dev20260603
libtpu: 0.0.44.dev20260713+nightly
codegen_flags: <defaults>
</compile_context>

<pallas_src>
import functools

import jax
import jax.numpy as jnp
from jax import lax
from jax.experimental import pallas as pl
from jax.experimental.pallas import tpu as pltpu
from jax.experimental.pallas import tpu_sc as plsc

_NUM_CORES = 2
_NUM_SUBCORES = 16
_NUM_WORKERS = _NUM_CORES * _NUM_SUBCORES
_LANES = 16
_HI_MASK = -65536
_BLK = 2 * _LANES


def _rne16(x):
    return lax.shift_right_logical(
        x + 0x7FFF + (lax.shift_right_logical(x, 16) & 1), 16)


@functools.lru_cache(maxsize=None)
def _make_gather_sum(L, B, V):
    assert L % 8 == 0 and B == 1024 and V % _BLK == 0
    tile_rows = L // 8
    b_per_w = B // _NUM_WORKERS
    groups = b_per_w // _LANES
    n_blocks = V // _BLK
    blk_rnd = 100
    blk_a = blk_rnd * _NUM_SUBCORES
    f32_rnd = blk_rnd * _BLK
    words_rnd = blk_rnd * _LANES
    stage_w = 2 * _NUM_SUBCORES * words_rnd
    words_a = blk_a * _LANES
    assert blk_a <= n_blocks <= 2 * blk_a
    mesh = plsc.VectorSubcoreMesh(core_axis_name="c", subcore_axis_name="s")

    @functools.partial(
        pl.kernel,
        mesh=mesh,
        out_type=(
            jax.ShapeDtypeStruct((1, B), jnp.float32),
            jax.ShapeDtypeStruct((_NUM_CORES, stage_w), jnp.int32),
        ),
        scratch_types=[
            pltpu.VMEM((V // 2,), jnp.int32),
            pltpu.VMEM((tile_rows, 8, b_per_w), jnp.int32),
            pltpu.VMEM((f32_rnd,), jnp.float32),
            pltpu.VMEM((f32_rnd,), jnp.float32),
            pltpu.VMEM((words_rnd,), jnp.int32),
            pltpu.VMEM((b_per_w,), jnp.float32),
            pltpu.VMEM((_LANES,), jnp.float32),
            pltpu.SemaphoreType.DMA,
            pltpu.SemaphoreType.DMA,
            pltpu.SemaphoreType.DMA,
            pltpu.SemaphoreType.DMA,
            pltpu.SemaphoreType.DMA,
        ],
        compiler_params=pltpu.CompilerParams(
            needs_layout_passes=False, use_tc_tiling_on_sc=False),
    )
    def gather_sum(w_hbm, tex_hbm, bias_hbm, out_hbm, stage_hbm, w_v, tex_v,
                   pin_a, pin_b, pout_v, out_v, bias_v, sem_w, sem_w2,
                   sem_t, sem_a, sem_b):
        core = lax.axis_index("c")
        sid = lax.axis_index("s")
        wid = sid * _NUM_CORES + core
        tile_col = wid // 4
        c0 = (wid % 4) * b_per_w
        cp_t = pltpu.async_copy(
            tex_hbm.at[:, tile_col, :, pl.ds(c0, b_per_w)], tex_v, sem_t)

        blk_a0 = sid * blk_rnd
        blk_b0 = blk_a + sid * blk_rnd
        fa_start = blk_a0 * _BLK
        fb_want = blk_b0 * _BLK
        fb_start = jnp.minimum(fb_want, V - f32_rnd)
        fb_off = fb_want - fb_start
        cp_a = pltpu.async_copy(w_hbm.at[0, pl.ds(fa_start, f32_rnd)], pin_a,
                                sem_a)
        cp_b = pltpu.async_copy(w_hbm.at[0, pl.ds(fb_start, f32_rnd)], pin_b,
                                sem_b)
        pltpu.sync_copy(bias_hbm, bias_v.at[pl.ds(0, 1)])

        def pack_round(pin_v, local_off, blk0):
            def pack_body(i, carry):
                @pl.when(blk0 + i < n_blocks)
                def _():
                    base = local_off + i * _BLK
                    b0 = plsc.bitcast(pin_v[pl.ds(base, _LANES)], jnp.int32)
                    b1 = plsc.bitcast(pin_v[pl.ds(base + _LANES, _LANES)],
                                      jnp.int32)
                    pout_v[pl.ds(i * _LANES, _LANES)] = (
                        _rne16(b0) | (_rne16(b1) << 16))
                return carry

            lax.fori_loop(0, blk_rnd, pack_body, 0)

        cp_a.wait()
        pack_round(pin_a, 0, blk_a0)
        pltpu.sync_copy(pout_v,
                        stage_hbm.at[core, pl.ds(blk_a0 * _LANES, words_rnd)])
        plsc.subcore_barrier()
        cp_w = pltpu.async_copy(stage_hbm.at[core, pl.ds(0, words_a)],
                                w_v.at[pl.ds(0, words_a)], sem_w)
        cp_b.wait()
        pack_round(pin_b, fb_off, blk_b0)
        pltpu.sync_copy(pout_v,
                        stage_hbm.at[core, pl.ds(blk_b0 * _LANES, words_rnd)])
        plsc.subcore_barrier()
        cp_w2 = pltpu.async_copy(
            stage_hbm.at[core, pl.ds(words_a, V // 2 - words_a)],
            w_v.at[pl.ds(words_a, V // 2 - words_a)], sem_w2)

        cp_t.wait()
        cp_w.wait()
        cp_w2.wait()
        bias = bias_v[...][0]

        def body(tr, accs):
            out = list(accs)
            for sub in range(8):
                for g in range(groups):
                    idx = tex_v[tr, sub, pl.ds(g * _LANES, _LANES)]
                    gidx = ((idx >> 5) << 4) | (idx & 15)
                    word = plsc.load_gather(w_v, [gidx])
                    bits = jnp.where((idx & 16) == 16, word & _HI_MASK,
                                     word << 16)
                    out[g] = out[g] + plsc.bitcast(bits, jnp.float32)
            return tuple(out)

        init = tuple(jnp.zeros((_LANES,), jnp.float32) for _ in range(groups))
        accs = lax.fori_loop(0, tile_rows, body, init)
        for g in range(groups):
            out_v[pl.ds(g * _LANES, _LANES)] = accs[g] + bias
        pltpu.sync_copy(
            out_v, out_hbm.at[0, pl.ds(tile_col * 128 + c0, b_per_w)])

    return gather_sum


def kernel(text, W, b):
    L, B = text.shape
    V = W.shape[1]
    tex4 = text.reshape(L // 8, 8, B // 128, 128).transpose(0, 2, 1, 3)
    out, _ = _make_gather_sum(L, B, V)(W, tex4, b)
    return out.reshape(B, 1)

# --- scband reference (transcript-rebuilt; emitter-appended) ---
"""Pipeline reference for scband-mnb-455266533601 (READ-ONLY COPY).

The authoritative reference and input builder live on the scoring server;
editing this copy changes nothing except your own understanding.
"""

import jax, jax.numpy as jnp
import numpy as np

V = 100000
L = 200
B = 1024

def setup_inputs(seed: int = 0) -> dict:
    key = jax.random.key(seed)
    k1, k2, k3 = jax.random.split(key, 3)
    text = jax.random.randint(k1, (L, B), 0, V, dtype=jnp.int32)
    # Learned params normally built in postprocess(): w = nn.Linear(V, 1)
    W = jax.random.normal(k2, (1, V), dtype=jnp.float32) * 0.05
    b = jax.random.normal(k3, (1,), dtype=jnp.float32) * 0.05
    return {"text": text, "W": W, "b": b}

def reference(text, W, b):
    # MNB.forward with counts=True: build per-phrase word-count histograms
    # word_vecs[phrase_ix, val] += count(val in text[:, phrase_ix])
    Lt, Bt = text.shape
    Vt = W.shape[1]
    rows = jnp.broadcast_to(jnp.arange(Bt, dtype=jnp.int32)[None, :], (Lt, Bt))
    word_vecs = jnp.zeros((Bt, Vt), dtype=jnp.float32).at[rows, text].add(1.0)
    # self.w(word_vecs): Linear(V, 1)
    return word_vecs @ W.T + b

if __name__ == "__main__":
    import jax
    _d = setup_inputs()
    print(jax.jit(kernel)(*tuple(_d.values())))

</pallas_src>

<mosaic_0001>
#map = affine_map<(d0, d1) -> (0, 0)>
#map1 = affine_map<(d0, d1) -> (0, 0, 0, 0)>
#map2 = affine_map<(d0, d1) -> (0)>
module attributes {stable_mosaic.version = 14 : i64} {
  func.func @gather_sum(%arg0: i32, %arg1: i32, %arg2: memref<1x100000xf32, #tpu.memory_space<hbm>>, %arg3: memref<25x8x8x128xi32, #tpu.memory_space<hbm>>, %arg4: memref<1xf32, #tpu.memory_space<hbm>>, %arg5: memref<1x1024xf32, #tpu.memory_space<hbm>>, %arg6: memref<2x51200xi32, #tpu.memory_space<hbm>>, %arg7: memref<50000xi32, #tpu.memory_space<vmem>>, %arg8: memref<25x8x32xi32, #tpu.memory_space<vmem>>, %arg9: memref<3200xf32, #tpu.memory_space<vmem>>, %arg10: memref<3200xf32, #tpu.memory_space<vmem>>, %arg11: memref<1600xi32, #tpu.memory_space<vmem>>, %arg12: memref<32xf32, #tpu.memory_space<vmem>>, %arg13: memref<16xf32, #tpu.memory_space<vmem>>, %arg14: memref<!tpu.dma_semaphore, #tpu.memory_space<semaphore_mem>>, %arg15: memref<!tpu.dma_semaphore, #tpu.memory_space<semaphore_mem>>, %arg16: memref<!tpu.dma_semaphore, #tpu.memory_space<semaphore_mem>>, %arg17: memref<!tpu.dma_semaphore, #tpu.memory_space<semaphore_mem>>, %arg18: memref<!tpu.dma_semaphore, #tpu.memory_space<semaphore_mem>>) attributes {dimension_semantics = [#tpu.dimension_semantics<core_parallel>, #tpu.dimension_semantics<subcore_parallel>], iteration_bounds = array<i64: 2, 16>, scalar_prefetch = 0 : i64, scratch_operands = 12 : i64, tpu.core_type = #tpu.core_type<sc_vector_subcore>, window_params = [{transform_indices = #map}, {transform_indices = #map1}, {transform_indices = #map2}, {transform_indices = #map}, {transform_indices = #map}]} {
    %mul3A = arith.constant 2 : i32
    %mul3A_0 = arith.muli %arg1, %mul3A : i32
    %add3A = arith.addi %mul3A_0, %arg0 : i32
    %jit3A = arith.constant 4 : i32
    %div3A = arith.divsi %add3A, %jit3A : i32
    %sign3A = arith.constant 0 : i32
    %sign3A_1 = arith.cmpi sgt, %add3A, %sign3A : i32
    %sign3A_2 = arith.extui %sign3A_1 : i1 to i32
    %sign3A_3 = arith.constant 0 : i32
    %sign3A_4 = arith.cmpi slt, %add3A, %sign3A_3 : i32
    %sign3A_5 = arith.extui %sign3A_4 : i1 to i32
    %sign3A_6 = arith.subi %sign3A_2, %sign3A_5 : i32
    %sign3A_7 = arith.constant 0 : i32
    %sign3A_8 = arith.cmpi sgt, %jit3A, %sign3A_7 : i32
    %sign3A_9 = arith.extui %sign3A_8 : i1 to i32
    %sign3A_10 = arith.constant 0 : i32
    %sign3A_11 = arith.cmpi slt, %jit3A, %sign3A_10 : i32
    %sign3A_12 = arith.extui %sign3A_11 : i1 to i32
    %sign3A_13 = arith.subi %sign3A_9, %sign3A_12 : i32
    %ne3A = arith.cmpi ne, %sign3A_6, %sign3A_13 : i32
    %rem3A = arith.remsi %add3A, %jit3A : i32
    %ne3A_14 = arith.constant 0 : i32
    %ne3A_15 = arith.cmpi ne, %rem3A, %ne3A_14 : i32
    %and3A = arith.andi %ne3A, %ne3A_15 : i1
    %sub3A = arith.constant 1 : i32
    %sub3A_16 = arith.subi %div3A, %sub3A : i32
    %select_n3A = arith.select %and3A, %sub3A_16, %div3A : i32
    %jit3A_17 = arith.constant 4 : i32
    %eq3A = arith.constant 0 : i32
    %eq3A_18 = arith.cmpi eq, %jit3A_17, %eq3A : i32
    %jit3A_19 = arith.constant 1 : i32
    %select_n3A_20 = arith.select %eq3A_18, %jit3A_19, %jit3A_17 : i32
    %rem3A_21 = arith.remsi %add3A, %select_n3A_20 : i32
    %ne3A_22 = arith.constant 0 : i32
    %ne3A_23 = arith.cmpi ne, %rem3A_21, %ne3A_22 : i32
    %lt3A = arith.constant 0 : i32
    %lt3A_24 = arith.cmpi slt, %rem3A_21, %lt3A : i32
    %lt3A_25 = arith.constant 0 : i32
    %lt3A_26 = arith.cmpi slt, %select_n3A_20, %lt3A_25 : i32
    %ne3A_27 = arith.xori %lt3A_24, %lt3A_26 : i1
    %and3A_28 = arith.andi %ne3A_27, %ne3A_23 : i1
    %add3A_29 = arith.addi %rem3A_21, %select_n3A_20 : i32
    %select_n3A_30 = arith.select %and3A_28, %add3A_29, %rem3A_21 : i32
    %mul3A_31 = arith.constant 32 : i32
    %mul3A_32 = arith.muli %select_n3A_30, %mul3A_31 : i32
    %dma_start3A = arith.constant 0 : i32
    %dma_start3A_33 = arith.constant 0 : i32
    %dma_start3A_34 = tpu.memref_slice %arg3[%dma_start3A, %select_n3A, %dma_start3A_33, %mul3A_32] : memref<25x8x8x128xi32, #tpu.memory_space<hbm>> -> memref<25x1x8x32xi32, #tpu.memory_space<hbm>>
    %dma_start3A_35 = tpu.memref_squeeze %dma_start3A_34 : memref<25x1x8x32xi32, #tpu.memory_space<hbm>> -> memref<25x8x32xi32, #tpu.memory_space<hbm>>
    %dma_start3A_36 = arith.constant 0 : i32
    %dma_start3A_37 = arith.constant 0 : i32
    %dma_start3A_38 = tpu.memref_slice %arg3[%dma_start3A_36, %select_n3A, %dma_start3A_37, %mul3A_32] : memref<25x8x8x128xi32, #tpu.memory_space<hbm>> -> memref<25x1x8x32xi32, #tpu.memory_space<hbm>>
    %dma_start3A_39 = tpu.memref_squeeze %dma_start3A_38 : memref<25x1x8x32xi32, #tpu.memory_space<hbm>> -> memref<25x8x32xi32, #tpu.memory_space<hbm>>
    tpu.enqueue_dma source(%dma_start3A_39 : memref<25x8x32xi32, #tpu.memory_space<hbm>>) target(%arg8 : memref<25x8x32xi32, #tpu.memory_space<vmem>>) target_semaphore(%arg16 : memref<!tpu.dma_semaphore, #tpu.memory_space<semaphore_mem>>)
    %mul3A_40 = arith.constant 100 : i32
    %mul3A_41 = arith.muli %arg1, %mul3A_40 : i32
    %mul3A_42 = arith.constant 100 : i32
    %mul3A_43 = arith.muli %arg1, %mul3A_42 : i32
    %add3A_44 = arith.constant 1600 : i32
    %add3A_45 = arith.addi %add3A_44, %mul3A_43 : i32
    %mul3A_46 = arith.constant 32 : i32
    %mul3A_47 = arith.muli %mul3A_41, %mul3A_46 : i32
    %mul3A_48 = arith.constant 32 : i32
    %mul3A_49 = arith.muli %add3A_45, %mul3A_48 : i32
    %min3A = arith.constant 96800 : i32
    %min3A_50 = arith.minsi %mul3A_49, %min3A : i32
    %sub3A_51 = arith.subi %mul3A_49, %min3A_50 : i32
    %dma_start3A_52 = arith.constant 0 : i32
    %dma_start3A_53 = tpu.memref_slice %arg2[%dma_start3A_52, %mul3A_47] : memref<1x100000xf32, #tpu.memory_space<hbm>> -> memref<1x3200xf32, #tpu.memory_space<hbm>>
    %dma_start3A_54 = tpu.memref_squeeze %dma_start3A_53 : memref<1x3200xf32, #tpu.memory_space<hbm>> -> memref<3200xf32, #tpu.memory_space<hbm>>
    %dma_start3A_55 = tpu.memref_slice %arg2[%dma_start3A_52, %mul3A_47] : memref<1x100000xf32, #tpu.memory_space<hbm>> -> memref<1x3200xf32, #tpu.memory_space<hbm>>
    %dma_start3A_56 = tpu.memref_squeeze %dma_start3A_55 : memref<1x3200xf32, #tpu.memory_space<hbm>> -> memref<3200xf32, #tpu.memory_space<hbm>>
    tpu.enqueue_dma source(%dma_start3A_56 : memref<3200xf32, #tpu.memory_space<hbm>>) target(%arg9 : memref<3200xf32, #tpu.memory_space<vmem>>) target_semaphore(%arg17 : memref<!tpu.dma_semaphore, #tpu.memory_space<semaphore_mem>>)
    %dma_start3A_57 = arith.constant 0 : i32
    %dma_start3A_58 = tpu.memref_slice %arg2[%dma_start3A_57, %min3A_50] : memref<1x100000xf32, #tpu.memory_space<hbm>> -> memref<1x3200xf32, #tpu.memory_space<hbm>>
    %dma_start3A_59 = tpu.memref_squeeze %dma_start3A_58 : memref<1x3200xf32, #tpu.memory_space<hbm>> -> memref<3200xf32, #tpu.memory_space<hbm>>
    %dma_start3A_60 = tpu.memref_slice %arg2[%dma_start3A_57, %min3A_50] : memref<1x100000xf32, #tpu.memory_space<hbm>> -> memref<1x3200xf32, #tpu.memory_space<hbm>>
    %dma_start3A_61 = tpu.memref_squeeze %dma_start3A_60 : memref<1x3200xf32, #tpu.memory_space<hbm>> -> memref<3200xf32, #tpu.memory_space<hbm>>
    tpu.enqueue_dma source(%dma_start3A_61 : memref<3200xf32, #tpu.memory_space<hbm>>) target(%arg10 : memref<3200xf32, #tpu.memory_space<vmem>>) target_semaphore(%arg18 : memref<!tpu.dma_semaphore, #tpu.memory_space<semaphore_mem>>)
    "tpu.region"() ({
      %run_scoped3A_155 = tpu.sem_alloc : memref<!tpu.dma_semaphore, #tpu.memory_space<semaphore_mem>>
      %dma_start3A_156 = arith.constant 0 : i32
      %dma_start3A_157 = tpu.memref_slice %arg13[%dma_start3A_156] : memref<16xf32, #tpu.memory_space<vmem>> -> memref<1xf32, #tpu.memory_space<vmem>>
      %dma_start3A_158 = arith.constant 0 : i32
      %dma_start3A_159 = tpu.memref_slice %arg13[%dma_start3A_158] : memref<16xf32, #tpu.memory_space<vmem>> -> memref<1xf32, #tpu.memory_space<vmem>>
      tpu.enqueue_dma source(%arg4 : memref<1xf32, #tpu.memory_space<hbm>>) target(%dma_start3A_159 : memref<1xf32, #tpu.memory_space<vmem>>) target_semaphore(%run_scoped3A_155 : memref<!tpu.dma_semaphore, #tpu.memory_space<semaphore_mem>>)
      %dma_wait3A_160 = arith.constant 0 : i32
      %dma_wait3A_161 = tpu.memref_slice %arg13[%dma_wait3A_160] : memref<16xf32, #tpu.memory_space<vmem>> -> memref<1xf32, #tpu.memory_space<vmem>>
      %dma_wait3A_162 = arith.constant 0 : i32
      %dma_wait3A_163 = tpu.memref_slice %arg13[%dma_wait3A_162] : memref<16xf32, #tpu.memory_space<vmem>> -> memref<1xf32, #tpu.memory_space<vmem>>
      tpu.wait_dma2 semaphore(%run_scoped3A_155 : memref<!tpu.dma_semaphore, #tpu.memory_space<semaphore_mem>>) src(%arg4 : memref<1xf32, #tpu.memory_space<hbm>>) dst(%dma_wait3A_163 : memref<1xf32, #tpu.memory_space<vmem>>)
      tpu.yield
    }) : () -> ()
    %dma_wait3A = arith.constant 0 : i32
    %dma_wait3A_62 = tpu.memref_slice %arg2[%dma_wait3A, %mul3A_47] : memref<1x100000xf32, #tpu.memory_space<hbm>> -> memref<1x3200xf32, #tpu.memory_space<hbm>>
    %dma_wait3A_63 = tpu.memref_squeeze %dma_wait3A_62 : memref<1x3200xf32, #tpu.memory_space<hbm>> -> memref<3200xf32, #tpu.memory_space<hbm>>
    %dma_wait3A_64 = tpu.memref_slice %arg2[%dma_wait3A, %mul3A_47] : memref<1x100000xf32, #tpu.memory_space<hbm>> -> memref<1x3200xf32, #tpu.memory_space<hbm>>
    %dma_wait3A_65 = tpu.memref_squeeze %dma_wait3A_64 : memref<1x3200xf32, #tpu.memory_space<hbm>> -> memref<3200xf32, #tpu.memory_space<hbm>>
    tpu.wait_dma2 semaphore(%arg17 : memref<!tpu.dma_semaphore, #tpu.memory_space<semaphore_mem>>) src(%dma_wait3A_65 : memref<3200xf32, #tpu.memory_space<hbm>>) dst(%arg9 : memref<3200xf32, #tpu.memory_space<vmem>>)
    %scan3A = arith.constant 0 : i32
    %scan3A_66 = arith.constant 0 : i32
    %scan3A_67 = arith.constant 100 : i32
    %scan3A_68 = arith.addi %scan3A_66, %scan3A_67 : i32
    %scan3A_69 = arith.constant 1 : i32
    scf.for %scan3A_155 = %scan3A_66 to %scan3A_68 step %scan3A_69  : i32 {
      %add3A_156 = arith.addi %mul3A_41, %scan3A_155 : i32
      %lt3A_157 = arith.constant 3125 : i32
      %lt3A_158 = arith.cmpi slt, %add3A_156, %lt3A_157 : i32
      %convert_element_type3A = arith.extui %lt3A_158 : i1 to i32
      %cond3A = arith.constant 0 : i32
      %cond3A_159 = arith.cmpi ne, %convert_element_type3A, %cond3A : i32
      scf.if %cond3A_159 {
        %mul3A_160 = arith.constant 32 : i32
        %mul3A_161 = arith.muli %scan3A_155, %mul3A_160 : i32
        %add3A_162 = arith.constant 0 : i32
        %add3A_163 = arith.addi %add3A_162, %mul3A_161 : i32
        %get3A_164 = arith.index_cast %add3A_163 : i32 to index
        %get3A_165 = tpu.vector_load %arg9[%get3A_164] {strides = array<i32>} : memref<3200xf32, #tpu.memory_space<vmem>>, vector<16xf32>,
        %bitcast3A = vector.bitcast %get3A_165 : vector<16xf32> to vector<16xi32>
        %add3A_166 = arith.constant 16 : i32
        %add3A_167 = arith.addi %add3A_163, %add3A_166 : i32
        %get3A_168 = arith.index_cast %add3A_167 : i32 to index
        %get3A_169 = tpu.vector_load %arg9[%get3A_168] {strides = array<i32>} : memref<3200xf32, #tpu.memory_space<vmem>>, vector<16xf32>,
        %bitcast3A_170 = vector.bitcast %get3A_169 : vector<16xf32> to vector<16xi32>
        %add3A_171 = arith.constant 32767 : i32
        %add3A_172 = vector.broadcast %add3A_171 : i32 to vector<16xi32>
        %add3A_173 = arith.addi %bitcast3A, %add3A_172 : vector<16xi32>
        %shift_right_logical3A = arith.constant 16 : i32
        %shift_right_logical3A_174 = vector.broadcast %shift_right_logical3A : i32 to vector<16xi32>
        %shift_right_logical3A_175 = arith.shrui %bitcast3A, %shift_right_logical3A_174 : vector<16xi32>
        %and3A_176 = arith.constant 1 : i32
        %and3A_177 = vector.broadcast %and3A_176 : i32 to vector<16xi32>
        %and3A_178 = arith.andi %shift_right_logical3A_175, %and3A_177 : vector<16xi32>
        %add3A_179 = arith.addi %add3A_173, %and3A_178 : vector<16xi32>
        %shift_right_logical3A_180 = arith.constant 16 : i32
        %shift_right_logical3A_181 = vector.broadcast %shift_right_logical3A_180 : i32 to vector<16xi32>
        %shift_right_logical3A_182 = arith.shrui %add3A_179, %shift_right_logical3A_181 : vector<16xi32>
        %add3A_183 = arith.constant 32767 : i32
        %add3A_184 = vector.broadcast %add3A_183 : i32 to vector<16xi32>
        %add3A_185 = arith.addi %bitcast3A_170, %add3A_184 : vector<16xi32>
        %shift_right_logical3A_186 = arith.constant 16 : i32
        %shift_right_logical3A_187 = vector.broadcast %shift_right_logical3A_186 : i32 to vector<16xi32>
        %shift_right_logical3A_188 = arith.shrui %bitcast3A_170, %shift_right_logical3A_187 : vector<16xi32>
        %and3A_189 = arith.constant 1 : i32
        %and3A_190 = vector.broadcast %and3A_189 : i32 to vector<16xi32>
        %and3A_191 = arith.andi %shift_right_logical3A_188, %and3A_190 : vector<16xi32>
        %add3A_192 = arith.addi %add3A_185, %and3A_191 : vector<16xi32>
        %shift_right_logical3A_193 = arith.constant 16 : i32
        %shift_right_logical3A_194 = vector.broadcast %shift_right_logical3A_193 : i32 to vector<16xi32>
        %shift_right_logical3A_195 = arith.shrui %add3A_192, %shift_right_logical3A_194 : vector<16xi32>
        %shift_left3A = arith.constant 16 : i32
        %shift_left3A_196 = vector.broadcast %shift_left3A : i32 to vector<16xi32>
        %shift_left3A_197 = arith.shli %shift_right_logical3A_195, %shift_left3A_196 : vector<16xi32>
        %or3A = arith.ori %shift_right_logical3A_182, %shift_left3A_197 : vector<16xi32>
        %mul3A_198 = arith.constant 16 : i32
        %mul3A_199 = arith.muli %scan3A_155, %mul3A_198 : i32
        %swap3A_200 = arith.index_cast %mul3A_199 : i32 to index
        %swap3A_201 = tpu.vector_load %arg11[%swap3A_200] {strides = array<i32>} : memref<1600xi32, #tpu.memory_space<vmem>>, vector<16xi32>,
        tpu.vector_store %arg11[%swap3A_200], %or3A {strides = array<i32>} : memref<1600xi32, #tpu.memory_space<vmem>>, vector<16xi32>,
      } else {
      }
    }
    %scan3A_70 = arith.constant 100 : i32
    %mul3A_71 = arith.constant 16 : i32
    %mul3A_72 = arith.muli %mul3A_41, %mul3A_71 : i32
    "tpu.region"() ({
      %run_scoped3A_155 = tpu.sem_alloc : memref<!tpu.dma_semaphore, #tpu.memory_space<semaphore_mem>>
      %dma_start3A_156 = tpu.memref_slice %arg6[%arg0, %mul3A_72] : memref<2x51200xi32, #tpu.memory_space<hbm>> -> memref<1x1600xi32, #tpu.memory_space<hbm>>
      %dma_start3A_157 = tpu.memref_squeeze %dma_start3A_156 : memref<1x1600xi32, #tpu.memory_space<hbm>> -> memref<1600xi32, #tpu.memory_space<hbm>>
      %dma_start3A_158 = tpu.memref_slice %arg6[%arg0, %mul3A_72] : memref<2x51200xi32, #tpu.memory_space<hbm>> -> memref<1x1600xi32, #tpu.memory_space<hbm>>
      %dma_start3A_159 = tpu.memref_squeeze %dma_start3A_158 : memref<1x1600xi32, #tpu.memory_space<hbm>> -> memref<1600xi32, #tpu.memory_space<hbm>>
      tpu.enqueue_dma source(%arg11 : memref<1600xi32, #tpu.memory_space<vmem>>) target(%dma_start3A_159 : memref<1600xi32, #tpu.memory_space<hbm>>) target_semaphore(%run_scoped3A_155 : memref<!tpu.dma_semaphore, #tpu.memory_space<semaphore_mem>>)
      %dma_wait3A_160 = tpu.memref_slice %arg6[%arg0, %mul3A_72] : memref<2x51200xi32, #tpu.memory_space<hbm>> -> memref<1x1600xi32, #tpu.memory_space<hbm>>
      %dma_wait3A_161 = tpu.memref_squeeze %dma_wait3A_160 : memref<1x1600xi32, #tpu.memory_space<hbm>> -> memref<1600xi32, #tpu.memory_space<hbm>>
      %dma_wait3A_162 = tpu.memref_slice %arg6[%arg0, %mul3A_72] : memref<2x51200xi32, #tpu.memory_space<hbm>> -> memref<1x1600xi32, #tpu.memory_space<hbm>>
      %dma_wait3A_163 = tpu.memref_squeeze %dma_wait3A_162 : memref<1x1600xi32, #tpu.memory_space<hbm>> -> memref<1600xi32, #tpu.memory_space<hbm>>
      tpu.wait_dma2 semaphore(%run_scoped3A_155 : memref<!tpu.dma_semaphore, #tpu.memory_space<semaphore_mem>>) src(%arg11 : memref<1600xi32, #tpu.memory_space<vmem>>) dst(%dma_wait3A_163 : memref<1600xi32, #tpu.memory_space<hbm>>)
      tpu.yield
    }) : () -> ()
    %barrier3A = arith.constant 0 : index
    tpu.barrier barrier_id(%barrier3A)
    %dma_start3A_73 = arith.constant 0 : i32
    %dma_start3A_74 = tpu.memref_slice %arg7[%dma_start3A_73] : memref<50000xi32, #tpu.memory_space<vmem>> -> memref<25600xi32, #tpu.memory_space<vmem>>
    %dma_start3A_75 = arith.constant 0 : i32
    %dma_start3A_76 = tpu.memref_slice %arg6[%arg0, %dma_start3A_75] : memref<2x51200xi32, #tpu.memory_space<hbm>> -> memref<1x25600xi32, #tpu.memory_space<hbm>>
    %dma_start3A_77 = tpu.memref_squeeze %dma_start3A_76 : memref<1x25600xi32, #tpu.memory_space<hbm>> -> memref<25600xi32, #tpu.memory_space<hbm>>
    %dma_start3A_78 = arith.constant 0 : i32
    %dma_start3A_79 = tpu.memref_slice %arg7[%dma_start3A_78] : memref<50000xi32, #tpu.memory_space<vmem>> -> memref<25600xi32, #tpu.memory_space<vmem>>
    %dma_start3A_80 = arith.constant 0 : i32
    %dma_start3A_81 = tpu.memref_slice %arg6[%arg0, %dma_start3A_80] : memref<2x51200xi32, #tpu.memory_space<hbm>> -> memref<1x25600xi32, #tpu.memory_space<hbm>>
    %dma_start3A_82 = tpu.memref_squeeze %dma_start3A_81 : memref<1x25600xi32, #tpu.memory_space<hbm>> -> memref<25600xi32, #tpu.memory_space<hbm>>
    tpu.enqueue_dma source(%dma_start3A_82 : memref<25600xi32, #tpu.memory_space<hbm>>) target(%dma_start3A_79 : memref<25600xi32, #tpu.memory_space<vmem>>) target_semaphore(%arg14 : memref<!tpu.dma_semaphore, #tpu.memory_space<semaphore_mem>>)
    %dma_wait3A_83 = arith.constant 0 : i32
    %dma_wait3A_84 = tpu.memref_slice %arg2[%dma_wait3A_83, %min3A_50] : memref<1x100000xf32, #tpu.memory_space<hbm>> -> memref<1x3200xf32, #tpu.memory_space<hbm>>
    %dma_wait3A_85 = tpu.memref_squeeze %dma_wait3A_84 : memref<1x3200xf32, #tpu.memory_space<hbm>> -> memref<3200xf32, #tpu.memory_space<hbm>>
    %dma_wait3A_86 = tpu.memref_slice %arg2[%dma_wait3A_83, %min3A_50] : memref<1x100000xf32, #tpu.memory_space<hbm>> -> memref<1x3200xf32, #tpu.memory_space<hbm>>
    %dma_wait3A_87 = tpu.memref_squeeze %dma_wait3A_86 : memref<1x3200xf32, #tpu.memory_space<hbm>> -> memref<3200xf32, #tpu.memory_space<hbm>>
    tpu.wait_dma2 semaphore(%arg18 : memref<!tpu.dma_semaphore, #tpu.memory_space<semaphore_mem>>) src(%dma_wait3A_87 : memref<3200xf32, #tpu.memory_space<hbm>>) dst(%arg10 : memref<3200xf32, #tpu.memory_space<vmem>>)
    %scan3A_88 = arith.constant 0 : i32
    %scan3A_89 = arith.constant 0 : i32
    %scan3A_90 = arith.constant 100 : i32
    %scan3A_91 = arith.addi %scan3A_89, %scan3A_90 : i32
    %scan3A_92 = arith.constant 1 : i32
    scf.for %scan3A_155 = %scan3A_89 to %scan3A_91 step %scan3A_92  : i32 {
      %add3A_156 = arith.addi %add3A_45, %scan3A_155 : i32
      %lt3A_157 = arith.constant 3125 : i32
      %lt3A_158 = arith.cmpi slt, %add3A_156, %lt3A_157 : i32
      %convert_element_type3A = arith.extui %lt3A_158 : i1 to i32
      %cond3A = arith.constant 0 : i32
      %cond3A_159 = arith.cmpi ne, %convert_element_type3A, %cond3A : i32
      scf.if %cond3A_159 {
        %mul3A_160 = arith.constant 32 : i32
        %mul3A_161 = arith.muli %scan3A_155, %mul3A_160 : i32
        %add3A_162 = arith.addi %sub3A_51, %mul3A_161 : i32
        %get3A_163 = arith.index_cast %add3A_162 : i32 to index
        %get3A_164 = tpu.vector_load %arg10[%get3A_163] {strides = array<i32>} : memref<3200xf32, #tpu.memory_space<vmem>>, vector<16xf32>,
        %bitcast3A = vector.bitcast %get3A_164 : vector<16xf32> to vector<16xi32>
        %add3A_165 = arith.constant 16 : i32
        %add3A_166 = arith.addi %add3A_162, %add3A_165 : i32
        %get3A_167 = arith.index_cast %add3A_166 : i32 to index
        %get3A_168 = tpu.vector_load %arg10[%get3A_167] {strides = array<i32>} : memref<3200xf32, #tpu.memory_space<vmem>>, vector<16xf32>,
        %bitcast3A_169 = vector.bitcast %get3A_168 : vector<16xf32> to vector<16xi32>
        %add3A_170 = arith.constant 32767 : i32
        %add3A_171 = vector.broadcast %add3A_170 : i32 to vector<16xi32>
        %add3A_172 = arith.addi %bitcast3A, %add3A_171 : vector<16xi32>
        %shift_right_logical3A = arith.constant 16 : i32
        %shift_right_logical3A_173 = vector.broadcast %shift_right_logical3A : i32 to vector<16xi32>
        %shift_right_logical3A_174 = arith.shrui %bitcast3A, %shift_right_logical3A_173 : vector<16xi32>
        %and3A_175 = arith.constant 1 : i32
        %and3A_176 = vector.broadcast %and3A_175 : i32 to vector<16xi32>
        %and3A_177 = arith.andi %shift_right_logical3A_174, %and3A_176 : vector<16xi32>
        %add3A_178 = arith.addi %add3A_172, %and3A_177 : vector<16xi32>
        %shift_right_logical3A_179 = arith.constant 16 : i32
        %shift_right_logical3A_180 = vector.broadcast %shift_right_logical3A_179 : i32 to vector<16xi32>
        %shift_right_logical3A_181 = arith.shrui %add3A_178, %shift_right_logical3A_180 : vector<16xi32>
        %add3A_182 = arith.constant 32767 : i32
        %add3A_183 = vector.broadcast %add3A_182 : i32 to vector<16xi32>
        %add3A_184 = arith.addi %bitcast3A_169, %add3A_183 : vector<16xi32>
        %shift_right_logical3A_185 = arith.constant 16 : i32
        %shift_right_logical3A_186 = vector.broadcast %shift_right_logical3A_185 : i32 to vector<16xi32>
        %shift_right_logical3A_187 = arith.shrui %bitcast3A_169, %shift_right_logical3A_186 : vector<16xi32>
        %and3A_188 = arith.constant 1 : i32
        %and3A_189 = vector.broadcast %and3A_188 : i32 to vector<16xi32>
        %and3A_190 = arith.andi %shift_right_logical3A_187, %and3A_189 : vector<16xi32>
        %add3A_191 = arith.addi %add3A_184, %and3A_190 : vector<16xi32>
        %shift_right_logical3A_192 = arith.constant 16 : i32
        %shift_right_logical3A_193 = vector.broadcast %shift_right_logical3A_192 : i32 to vector<16xi32>
        %shift_right_logical3A_194 = arith.shrui %add3A_191, %shift_right_logical3A_193 : vector<16xi32>
        %shift_left3A = arith.constant 16 : i32
        %shift_left3A_195 = vector.broadcast %shift_left3A : i32 to vector<16xi32>
        %shift_left3A_196 = arith.shli %shift_right_logical3A_194, %shift_left3A_195 : vector<16xi32>
        %or3A = arith.ori %shift_right_logical3A_181, %shift_left3A_196 : vector<16xi32>
        %mul3A_197 = arith.constant 16 : i32
        %mul3A_198 = arith.muli %scan3A_155, %mul3A_197 : i32
        %swap3A_199 = arith.index_cast %mul3A_198 : i32 to index
        %swap3A_200 = tpu.vector_load %arg11[%swap3A_199] {strides = array<i32>} : memref<1600xi32, #tpu.memory_space<vmem>>, vector<16xi32>,
        tpu.vector_store %arg11[%swap3A_199], %or3A {strides = array<i32>} : memref<1600xi32, #tpu.memory_space<vmem>>, vector<16xi32>,
      } else {
      }
    }
    %scan3A_93 = arith.constant 100 : i32
    %mul3A_94 = arith.constant 16 : i32
    %mul3A_95 = arith.muli %add3A_45, %mul3A_94 : i32
    "tpu.region"() ({
      %run_scoped3A_155 = tpu.sem_alloc : memref<!tpu.dma_semaphore, #tpu.memory_space<semaphore_mem>>
      %dma_start3A_156 = tpu.memref_slice %arg6[%arg0, %mul3A_95] : memref<2x51200xi32, #tpu.memory_space<hbm>> -> memref<1x1600xi32, #tpu.memory_space<hbm>>
      %dma_start3A_157 = tpu.memref_squeeze %dma_start3A_156 : memref<1x1600xi32, #tpu.memory_space<hbm>> -> memref<1600xi32, #tpu.memory_space<hbm>>
      %dma_start3A_158 = tpu.memref_slice %arg6[%arg0, %mul3A_95] : memref<2x51200xi32, #tpu.memory_space<hbm>> -> memref<1x1600xi32, #tpu.memory_space<hbm>>
      %dma_start3A_159 = tpu.memref_squeeze %dma_start3A_158 : memref<1x1600xi32, #tpu.memory_space<hbm>> -> memref<1600xi32, #tpu.memory_space<hbm>>
      tpu.enqueue_dma source(%arg11 : memref<1600xi32, #tpu.memory_space<vmem>>) target(%dma_start3A_159 : memref<1600xi32, #tpu.memory_space<hbm>>) target_semaphore(%run_scoped3A_155 : memref<!tpu.dma_semaphore, #tpu.memory_space<semaphore_mem>>)
      %dma_wait3A_160 = tpu.memref_slice %arg6[%arg0, %mul3A_95] : memref<2x51200xi32, #tpu.memory_space<hbm>> -> memref<1x1600xi32, #tpu.memory_space<hbm>>
      %dma_wait3A_161 = tpu.memref_squeeze %dma_wait3A_160 : memref<1x1600xi32, #tpu.memory_space<hbm>> -> memref<1600xi32, #tpu.memory_space<hbm>>
      %dma_wait3A_162 = tpu.memref_slice %arg6[%arg0, %mul3A_95] : memref<2x51200xi32, #tpu.memory_space<hbm>> -> memref<1x1600xi32, #tpu.memory_space<hbm>>
      %dma_wait3A_163 = tpu.memref_squeeze %dma_wait3A_162 : memref<1x1600xi32, #tpu.memory_space<hbm>> -> memref<1600xi32, #tpu.memory_space<hbm>>
      tpu.wait_dma2 semaphore(%run_scoped3A_155 : memref<!tpu.dma_semaphore, #tpu.memory_space<semaphore_mem>>) src(%arg11 : memref<1600xi32, #tpu.memory_space<vmem>>) dst(%dma_wait3A_163 : memref<1600xi32, #tpu.memory_space<hbm>>)
      tpu.yield
    }) : () -> ()
    %barrier3A_96 = arith.constant 0 : index
    tpu.barrier barrier_id(%barrier3A_96)
    %dma_start3A_97 = arith.constant 25600 : i32
    %dma_start3A_98 = tpu.memref_slice %arg7[%dma_start3A_97] : memref<50000xi32, #tpu.memory_space<vmem>> -> memref<24400xi32, #tpu.memory_space<vmem>>
    %dma_start3A_99 = arith.constant 25600 : i32
    %dma_start3A_100 = tpu.memref_slice %arg6[%arg0, %dma_start3A_99] : memref<2x51200xi32, #tpu.memory_space<hbm>> -> memref<1x24400xi32, #tpu.memory_space<hbm>>
    %dma_start3A_101 = tpu.memref_squeeze %dma_start3A_100 : memref<1x24400xi32, #tpu.memory_space<hbm>> -> memref<24400xi32, #tpu.memory_space<hbm>>
    %dma_start3A_102 = arith.constant 25600 : i32
    %dma_start3A_103 = tpu.memref_slice %arg7[%dma_start3A_102] : memref<50000xi32, #tpu.memory_space<vmem>> -> memref<24400xi32, #tpu.memory_space<vmem>>
    %dma_start3A_104 = arith.constant 25600 : i32
    %dma_start3A_105 = tpu.memref_slice %arg6[%arg0, %dma_start3A_104] : memref<2x51200xi32, #tpu.memory_space<hbm>> -> memref<1x24400xi32, #tpu.memory_space<hbm>>
    %dma_start3A_106 = tpu.memref_squeeze %dma_start3A_105 : memref<1x24400xi32, #tpu.memory_space<hbm>> -> memref<24400xi32, #tpu.memory_space<hbm>>
    tpu.enqueue_dma source(%dma_start3A_106 : memref<24400xi32, #tpu.memory_space<hbm>>) target(%dma_start3A_103 : memref<24400xi32, #tpu.memory_space<vmem>>) target_semaphore(%arg15 : memref<!tpu.dma_semaphore, #tpu.memory_space<semaphore_mem>>)
    %dma_wait3A_107 = arith.constant 0 : i32
    %dma_wait3A_108 = arith.constant 0 : i32
    %dma_wait3A_109 = tpu.memref_slice %arg3[%dma_wait3A_107, %select_n3A, %dma_wait3A_108, %mul3A_32] : memref<25x8x8x128xi32, #tpu.memory_space<hbm>> -> memref<25x1x8x32xi32, #tpu.memory_space<hbm>>
    %dma_wait3A_110 = tpu.memref_squeeze %dma_wait3A_109 : memref<25x1x8x32xi32, #tpu.memory_space<hbm>> -> memref<25x8x32xi32, #tpu.memory_space<hbm>>
    %dma_wait3A_111 = arith.constant 0 : i32
    %dma_wait3A_112 = arith.constant 0 : i32
    %dma_wait3A_113 = tpu.memref_slice %arg3[%dma_wait3A_111, %select_n3A, %dma_wait3A_112, %mul3A_32] : memref<25x8x8x128xi32, #tpu.memory_space<hbm>> -> memref<25x1x8x32xi32, #tpu.memory_space<hbm>>
    %dma_wait3A_114 = tpu.memref_squeeze %dma_wait3A_113 : memref<25x1x8x32xi32, #tpu.memory_space<hbm>> -> memref<25x8x32xi32, #tpu.memory_space<hbm>>
    tpu.wait_dma2 semaphore(%arg16 : memref<!tpu.dma_semaphore, #tpu.memory_space<semaphore_mem>>) src(%dma_wait3A_114 : memref<25x8x32xi32, #tpu.memory_space<hbm>>) dst(%arg8 : memref<25x8x32xi32, #tpu.memory_space<vmem>>)
    %dma_wait3A_115 = arith.constant 0 : i32
    %dma_wait3A_116 = tpu.memref_slice %arg7[%dma_wait3A_115] : memref<50000xi32, #tpu.memory_space<vmem>> -> memref<25600xi32, #tpu.memory_space<vmem>>
    %dma_wait3A_117 = arith.constant 0 : i32
    %dma_wait3A_118 = tpu.memref_slice %arg6[%arg0, %dma_wait3A_117] : memref<2x51200xi32, #tpu.memory_space<hbm>> -> memref<1x25600xi32, #tpu.memory_space<hbm>>
    %dma_wait3A_119 = tpu.memref_squeeze %dma_wait3A_118 : memref<1x25600xi32, #tpu.memory_space<hbm>> -> memref<25600xi32, #tpu.memory_space<hbm>>
    %dma_wait3A_120 = arith.constant 0 : i32
    %dma_wait3A_121 = tpu.memref_slice %arg7[%dma_wait3A_120] : memref<50000xi32, #tpu.memory_space<vmem>> -> memref<25600xi32, #tpu.memory_space<vmem>>
    %dma_wait3A_122 = arith.constant 0 : i32
    %dma_wait3A_123 = tpu.memref_slice %arg6[%arg0, %dma_wait3A_122] : memref<2x51200xi32, #tpu.memory_space<hbm>> -> memref<1x25600xi32, #tpu.memory_space<hbm>>
    %dma_wait3A_124 = tpu.memref_squeeze %dma_wait3A_123 : memref<1x25600xi32, #tpu.memory_space<hbm>> -> memref<25600xi32, #tpu.memory_space<hbm>>
    tpu.wait_dma2 semaphore(%arg14 : memref<!tpu.dma_semaphore, #tpu.memory_space<semaphore_mem>>) src(%dma_wait3A_124 : memref<25600xi32, #tpu.memory_space<hbm>>) dst(%dma_wait3A_121 : memref<25600xi32, #tpu.memory_space<vmem>>)
    %dma_wait3A_125 = arith.constant 25600 : i32
    %dma_wait3A_126 = tpu.memref_slice %arg7[%dma_wait3A_125] : memref<50000xi32, #tpu.memory_space<vmem>> -> memref<24400xi32, #tpu.memory_space<vmem>>
    %dma_wait3A_127 = arith.constant 25600 : i32
    %dma_wait3A_128 = tpu.memref_slice %arg6[%arg0, %dma_wait3A_127] : memref<2x51200xi32, #tpu.memory_space<hbm>> -> memref<1x24400xi32, #tpu.memory_space<hbm>>
    %dma_wait3A_129 = tpu.memref_squeeze %dma_wait3A_128 : memref<1x24400xi32, #tpu.memory_space<hbm>> -> memref<24400xi32, #tpu.memory_space<hbm>>
    %dma_wait3A_130 = arith.constant 25600 : i32
    %dma_wait3A_131 = tpu.memref_slice %arg7[%dma_wait3A_130] : memref<50000xi32, #tpu.memory_space<vmem>> -> memref<24400xi32, #tpu.memory_space<vmem>>
    %dma_wait3A_132 = arith.constant 25600 : i32
    %dma_wait3A_133 = tpu.memref_slice %arg6[%arg0, %dma_wait3A_132] : memref<2x51200xi32, #tpu.memory_space<hbm>> -> memref<1x24400xi32, #tpu.memory_space<hbm>>
    %dma_wait3A_134 = tpu.memref_squeeze %dma_wait3A_133 : memref<1x24400xi32, #tpu.memory_space<hbm>> -> memref<24400xi32, #tpu.memory_space<hbm>>
    tpu.wait_dma2 semaphore(%arg15 : memref<!tpu.dma_semaphore, #tpu.memory_space<semaphore_mem>>) src(%dma_wait3A_134 : memref<24400xi32, #tpu.memory_space<hbm>>) dst(%dma_wait3A_131 : memref<24400xi32, #tpu.memory_space<vmem>>)
    %get3A = arith.constant 0 : index
    %get3A_135 = tpu.vector_load %arg13[%get3A] {strides = array<i32>} : memref<16xf32, #tpu.memory_space<vmem>>, vector<16xf32>,
    %slice3A = vector.extract_strided_slice %get3A_135 {offsets = [0], sizes = [1], strides = [1]} : vector<16xf32> to vector<1xf32>
    %squeeze3A = vector.extract %slice3A[0] : f32 from vector<1xf32>
    %broadcast_in_dim3A = arith.constant 0.000000e+00 : f32
    %broadcast_in_dim3A_136 = vector.broadcast %broadcast_in_dim3A : f32 to vector<16xf32>
    %broadcast_in_dim3A_137 = arith.constant 0.000000e+00 : f32
    %broadcast_in_dim3A_138 = vector.broadcast %broadcast_in_dim3A_137 : f32 to vector<16xf32>
    %scan3A_139 = arith.constant 0 : i32
    %scan3A_140 = arith.constant 25 : i32
    %scan3A_141 = arith.addi %scan3A_139, %scan3A_140 : i32
    %scan3A_142 = arith.constant 1 : i32
    %scan3A_143:2 = scf.for %scan3A_155 = %scan3A_139 to %scan3A_141 step %scan3A_142 iter_args(%scan3A_156 = %broadcast_in_dim3A_136, %scan3A_157 = %broadcast_in_dim3A_138) -> (vector<16xf32>, vector<16xf32>)  : i32 {
      %get3A_158 = arith.constant 0 : i32
      %get3A_159 = arith.index_cast %scan3A_155 : i32 to index
      %get3A_160 = arith.index_cast %get3A_158 : i32 to index
      %get3A_161 = arith.constant 0 : index
      %get3A_162 = tpu.vector_load %arg8[%get3A_159, %get3A_160, %get3A_161] {strides = array<i32>} : memref<25x8x32xi32, #tpu.memory_space<vmem>>, vector<16xi32>,
      %shift_right_arithmetic3A = arith.constant 5 : i32
      %shift_right_arithmetic3A_163 = vector.broadcast %shift_right_arithmetic3A : i32 to vector<16xi32>
      %shift_right_arithmetic3A_164 = arith.shrsi %get3A_162, %shift_right_arithmetic3A_163 : vector<16xi32>
      %shift_left3A = arith.constant 4 : i32
      %shift_left3A_165 = vector.broadcast %shift_left3A : i32 to vector<16xi32>
      %shift_left3A_166 = arith.shli %shift_right_arithmetic3A_164, %shift_left3A_165 : vector<16xi32>
      %and3A_167 = arith.constant 15 : i32
      %and3A_168 = vector.broadcast %and3A_167 : i32 to vector<16xi32>
      %and3A_169 = arith.andi %get3A_162, %and3A_168 : vector<16xi32>
      %or3A = arith.ori %shift_left3A_166, %and3A_169 : vector<16xi32>
      %gather3A = tpu.vector_load_idx %arg7[%or3A] : memref<50000xi32, #tpu.memory_space<vmem>>[vector<16xi32>], vector<16xi32>,
      %and3A_170 = arith.constant 16 : i32
      %and3A_171 = vector.broadcast %and3A_170 : i32 to vector<16xi32>
      %and3A_172 = arith.andi %get3A_162, %and3A_171 : vector<16xi32>
      %eq3A_173 = arith.constant 16 : i32
      %eq3A_174 = vector.broadcast %eq3A_173 : i32 to vector<16xi32>
      %eq3A_175 = arith.cmpi eq, %and3A_172, %eq3A_174 : vector<16xi32>
      %and3A_176 = arith.constant -65536 : i32
      %and3A_177 = vector.broadcast %and3A_176 : i32 to vector<16xi32>
      %and3A_178 = arith.andi %gather3A, %and3A_177 : vector<16xi32>
      %shift_left3A_179 = arith.constant 16 : i32
      %shift_left3A_180 = vector.broadcast %shift_left3A_179 : i32 to vector<16xi32>
      %shift_left3A_181 = arith.shli %gather3A, %shift_left3A_180 : vector<16xi32>
      %select_n3A_182 = arith.select %eq3A_175, %and3A_178, %shift_left3A_181 : vector<16xi1>, vector<16xi32>
      %bitcast3A = vector.bitcast %select_n3A_182 : vector<16xi32> to vector<16xf32>
      %add3A_183 = arith.addf %scan3A_156, %bitcast3A : vector<16xf32>
      %get3A_184 = arith.constant 0 : i32
      %get3A_185 = arith.index_cast %scan3A_155 : i32 to index
      %get3A_186 = arith.index_cast %get3A_184 : i32 to index
      %get3A_187 = arith.constant 16 : index
      %get3A_188 = tpu.vector_load %arg8[%get3A_185, %get3A_186, %get3A_187] {strides = array<i32>} : memref<25x8x32xi32, #tpu.memory_space<vmem>>, vector<16xi32>,
      %shift_right_arithmetic3A_189 = arith.constant 5 : i32
      %shift_right_arithmetic3A_190 = vector.broadcast %shift_right_arithmetic3A_189 : i32 to vector<16xi32>
      %shift_right_arithmetic3A_191 = arith.shrsi %get3A_188, %shift_right_arithmetic3A_190 : vector<16xi32>
      %shift_left3A_192 = arith.constant 4 : i32
      %shift_left3A_193 = vector.broadcast %shift_left3A_192 : i32 to vector<16xi32>
      %shift_left3A_194 = arith.shli %shift_right_arithmetic3A_191, %shift_left3A_193 : vector<16xi32>
      %and3A_195 = arith.constant 15 : i32
      %and3A_196 = vector.broadcast %and3A_195 : i32 to vector<16xi32>
      %and3A_197 = arith.andi %get3A_188, %and3A_196 : vector<16xi32>
      %or3A_198 = arith.ori %shift_left3A_194, %and3A_197 : vector<16xi32>
      %gather3A_199 = tpu.vector_load_idx %arg7[%or3A_198] : memref<50000xi32, #tpu.memory_space<vmem>>[vector<16xi32>], vector<16xi32>,
      %and3A_200 = arith.constant 16 : i32
      %and3A_201 = vector.broadcast %and3A_200 : i32 to vector<16xi32>
      %and3A_202 = arith.andi %get3A_188, %and3A_201 : vector<16xi32>
      %eq3A_203 = arith.constant 16 : i32
      %eq3A_204 = vector.broadcast %eq3A_203 : i32 to vector<16xi32>
      %eq3A_205 = arith.cmpi eq, %and3A_202, %eq3A_204 : vector<16xi32>
      %and3A_206 = arith.constant -65536 : i32
      %and3A_207 = vector.broadcast %and3A_206 : i32 to vector<16xi32>
      %and3A_208 = arith.andi %gather3A_199, %and3A_207 : vector<16xi32>
      %shift_left3A_209 = arith.constant 16 : i32
      %shift_left3A_210 = vector.broadcast %shift_left3A_209 : i32 to vector<16xi32>
      %shift_left3A_211 = arith.shli %gather3A_199, %shift_left3A_210 : vector<16xi32>
      %select_n3A_212 = arith.select %eq3A_205, %and3A_208, %shift_left3A_211 : vector<16xi1>, vector<16xi32>
      %bitcast3A_213 = vector.bitcast %select_n3A_212 : vector<16xi32> to vector<16xf32>
      %add3A_214 = arith.addf %scan3A_157, %bitcast3A_213 : vector<16xf32>
      %get3A_215 = arith.constant 1 : i32
      %get3A_216 = arith.index_cast %scan3A_155 : i32 to index
      %get3A_217 = arith.index_cast %get3A_215 : i32 to index
      %get3A_218 = arith.constant 0 : index
      %get3A_219 = tpu.vector_load %arg8[%get3A_216, %get3A_217, %get3A_218] {strides = array<i32>} : memref<25x8x32xi32, #tpu.memory_space<vmem>>, vector<16xi32>,
      %shift_right_arithmetic3A_220 = arith.constant 5 : i32
      %shift_right_arithmetic3A_221 = vector.broadcast %shift_right_arithmetic3A_220 : i32 to vector<16xi32>
      %shift_right_arithmetic3A_222 = arith.shrsi %get3A_219, %shift_right_arithmetic3A_221 : vector<16xi32>
      %shift_left3A_223 = arith.constant 4 : i32
      %shift_left3A_224 = vector.broadcast %shift_left3A_223 : i32 to vector<16xi32>
      %shift_left3A_225 = arith.shli %shift_right_arithmetic3A_222, %shift_left3A_224 : vector<16xi32>
      %and3A_226 = arith.constant 15 : i32
      %and3A_227 = vector.broadcast %and3A_226 : i32 to vector<16xi32>
      %and3A_228 = arith.andi %get3A_219, %and3A_227 : vector<16xi32>
      %or3A_229 = arith.ori %shift_left3A_225, %and3A_228 : vector<16xi32>
      %gather3A_230 = tpu.vector_load_idx %arg7[%or3A_229] : memref<50000xi32, #tpu.memory_space<vmem>>[vector<16xi32>], vector<16xi32>,
      %and3A_231 = arith.constant 16 : i32
      %and3A_232 = vector.broadcast %and3A_231 : i32 to vector<16xi32>
      %and3A_233 = arith.andi %get3A_219, %and3A_232 : vector<16xi32>
      %eq3A_234 = arith.constant 16 : i32
      %eq3A_235 = vector.broadcast %eq3A_234 : i32 to vector<16xi32>
      %eq3A_236 = arith.cmpi eq, %and3A_233, %eq3A_235 : vector<16xi32>
      %and3A_237 = arith.constant -65536 : i32
      %and3A_238 = vector.broadcast %and3A_237 : i32 to vector<16xi32>
      %and3A_239 = arith.andi %gather3A_230, %and3A_238 : vector<16xi32>
      %shift_left3A_240 = arith.constant 16 : i32
      %shift_left3A_241 = vector.broadcast %shift_left3A_240 : i32 to vector<16xi32>
      %shift_left3A_242 = arith.shli %gather3A_230, %shift_left3A_241 : vector<16xi32>
      %select_n3A_243 = arith.select %eq3A_236, %and3A_239, %shift_left3A_242 : vector<16xi1>, vector<16xi32>
      %bitcast3A_244 = vector.bitcast %select_n3A_243 : vector<16xi32> to vector<16xf32>
      %add3A_245 = arith.addf %add3A_183, %bitcast3A_244 : vector<16xf32>
      %get3A_246 = arith.constant 1 : i32
      %get3A_247 = arith.index_cast %scan3A_155 : i32 to index
      %get3A_248 = arith.index_cast %get3A_246 : i32 to index
      %get3A_249 = arith.constant 16 : index
      %get3A_250 = tpu.vector_load %arg8[%get3A_247, %get3A_248, %get3A_249] {strides = array<i32>} : memref<25x8x32xi32, #tpu.memory_space<vmem>>, vector<16xi32>,
      %shift_right_arithmetic3A_251 = arith.constant 5 : i32
      %shift_right_arithmetic3A_252 = vector.broadcast %shift_right_arithmetic3A_251 : i32 to vector<16xi32>
      %shift_right_arithmetic3A_253 = arith.shrsi %get3A_250, %shift_right_arithmetic3A_252 : vector<16xi32>
      %shift_left3A_254 = arith.constant 4 : i32
      %shift_left3A_255 = vector.broadcast %shift_left3A_254 : i32 to vector<16xi32>
      %shift_left3A_256 = arith.shli %shift_right_arithmetic3A_253, %shift_left3A_255 : vector<16xi32>
      %and3A_257 = arith.constant 15 : i32
      %and3A_258 = vector.broadcast %and3A_257 : i32 to vector<16xi32>
      %and3A_259 = arith.andi %get3A_250, %and3A_258 : vector<16xi32>
      %or3A_260 = arith.ori %shift_left3A_256, %and3A_259 : vector<16xi32>
      %gather3A_261 = tpu.vector_load_idx %arg7[%or3A_260] : memref<50000xi32, #tpu.memory_space<vmem>>[vector<16xi32>], vector<16xi32>,
      %and3A_262 = arith.constant 16 : i32
      %and3A_263 = vector.broadcast %and3A_262 : i32 to vector<16xi32>
      %and3A_264 = arith.andi %get3A_250, %and3A_263 : vector<16xi32>
      %eq3A_265 = arith.constant 16 : i32
      %eq3A_266 = vector.broadcast %eq3A_265 : i32 to vector<16xi32>
      %eq3A_267 = arith.cmpi eq, %and3A_264, %eq3A_266 : vector<16xi32>
      %and3A_268 = arith.constant -65536 : i32
      %and3A_269 = vector.broadcast %and3A_268 : i32 to vector<16xi32>
      %and3A_270 = arith.andi %gather3A_261, %and3A_269 : vector<16xi32>
      %shift_left3A_271 = arith.constant 16 : i32
      %shift_left3A_272 = vector.broadcast %shift_left3A_271 : i32 to vector<16xi32>
      %shift_left3A_273 = arith.shli %gather3A_261, %shift_left3A_272 : vector<16xi32>
      %select_n3A_274 = arith.select %eq3A_267, %and3A_270, %shift_left3A_273 : vector<16xi1>, vector<16xi32>
      %bitcast3A_275 = vector.bitcast %select_n3A_274 : vector<16xi32> to vector<16xf32>
      %add3A_276 = arith.addf %add3A_214, %bitcast3A_275 : vector<16xf32>
      %get3A_277 = arith.constant 2 : i32
      %get3A_278 = arith.index_cast %scan3A_155 : i32 to index
      %get3A_279 = arith.index_cast %get3A_277 : i32 to index
      %get3A_280 = arith.constant 0 : index
      %get3A_281 = tpu.vector_load %arg8[%get3A_278, %get3A_279, %get3A_280] {strides = array<i32>} : memref<25x8x32xi32, #tpu.memory_space<vmem>>, vector<16xi32>,
      %shift_right_arithmetic3A_282 = arith.constant 5 : i32
      %shift_right_arithmetic3A_283 = vector.broadcast %shift_right_arithmetic3A_282 : i32 to vector<16xi32>
      %shift_right_arithmetic3A_284 = arith.shrsi %get3A_281, %shift_right_arithmetic3A_283 : vector<16xi32>
      %shift_left3A_285 = arith.constant 4 : i32
      %shift_left3A_286 = vector.broadcast %shift_left3A_285 : i32 to vector<16xi32>
      %shift_left3A_287 = arith.shli %shift_right_arithmetic3A_284, %shift_left3A_286 : vector<16xi32>
      %and3A_288 = arith.constant 15 : i32
      %and3A_289 = vector.broadcast %and3A_288 : i32 to vector<16xi32>
      %and3A_290 = arith.andi %get3A_281, %and3A_289 : vector<16xi32>
      %or3A_291 = arith.ori %shift_left3A_287, %and3A_290 : vector<16xi32>
      %gather3A_292 = tpu.vector_load_idx %arg7[%or3A_291] : memref<50000xi32, #tpu.memory_space<vmem>>[vector<16xi32>], vector<16xi32>,
      %and3A_293 = arith.constant 16 : i32
      %and3A_294 = vector.broadcast %and3A_293 : i32 to vector<16xi32>
      %and3A_295 = arith.andi %get3A_281, %and3A_294 : vector<16xi32>
      %eq3A_296 = arith.constant 16 : i32
      %eq3A_297 = vector.broadcast %eq3A_296 : i32 to vector<16xi32>
      %eq3A_298 = arith.cmpi eq, %and3A_295, %eq3A_297 : vector<16xi32>
      %and3A_299 = arith.constant -65536 : i32
      %and3A_300 = vector.broadcast %and3A_299 : i32 to vector<16xi32>
      %and3A_301 = arith.andi %gather3A_292, %and3A_300 : vector<16xi32>
      %shift_left3A_302 = arith.constant 16 : i32
      %shift_left3A_303 = vector.broadcast %shift_left3A_302 : i32 to vector<16xi32>
      %shift_left3A_304 = arith.shli %gather3A_292, %shift_left3A_303 : vector<16xi32>
      %select_n3A_305 = arith.select %eq3A_298, %and3A_301, %shift_left3A_304 : vector<16xi1>, vector<16xi32>
      %bitcast3A_306 = vector.bitcast %select_n3A_305 : vector<16xi32> to vector<16xf32>
      %add3A_307 = arith.addf %add3A_245, %bitcast3A_306 : vector<16xf32>
      %get3A_308 = arith.constant 2 : i32
      %get3A_309 = arith.index_cast %scan3A_155 : i32 to index
      %get3A_310 = arith.index_cast %get3A_308 : i32 to index
      %get3A_311 = arith.constant 16 : index
      %get3A_312 = tpu.vector_load %arg8[%get3A_309, %get3A_310, %get3A_311] {strides = array<i32>} : memref<25x8x32xi32, #tpu.memory_space<vmem>>, vector<16xi32>,
      %shift_right_arithmetic3A_313 = arith.constant 5 : i32
      %shift_right_arithmetic3A_314 = vector.broadcast %shift_right_arithmetic3A_313 : i32 to vector<16xi32>
      %shift_right_arithmetic3A_315 = arith.shrsi %get3A_312, %shift_right_arithmetic3A_314 : vector<16xi32>
      %shift_left3A_316 = arith.constant 4 : i32
      %shift_left3A_317 = vector.broadcast %shift_left3A_316 : i32 to vector<16xi32>
      %shift_left3A_318 = arith.shli %shift_right_arithmetic3A_315, %shift_left3A_317 : vector<16xi32>
      %and3A_319 = arith.constant 15 : i32
      %and3A_320 = vector.broadcast %and3A_319 : i32 to vector<16xi32>
      %and3A_321 = arith.andi %get3A_312, %and3A_320 : vector<16xi32>
      %or3A_322 = arith.ori %shift_left3A_318, %and3A_321 : vector<16xi32>
      %gather3A_323 = tpu.vector_load_idx %arg7[%or3A_322] : memref<50000xi32, #tpu.memory_space<vmem>>[vector<16xi32>], vector<16xi32>,
      %and3A_324 = arith.constant 16 : i32
      %and3A_325 = vector.broadcast %and3A_324 : i32 to vector<16xi32>
      %and3A_326 = arith.andi %get3A_312, %and3A_325 : vector<16xi32>
      %eq3A_327 = arith.constant 16 : i32
      %eq3A_328 = vector.broadcast %eq3A_327 : i32 to vector<16xi32>
      %eq3A_329 = arith.cmpi eq, %and3A_326, %eq3A_328 : vector<16xi32>
      %and3A_330 = arith.constant -65536 : i32
      %and3A_331 = vector.broadcast %and3A_330 : i32 to vector<16xi32>
      %and3A_332 = arith.andi %gather3A_323, %and3A_331 : vector<16xi32>
      %shift_left3A_333 = arith.constant 16 : i32
      %shift_left3A_334 = vector.broadcast %shift_left3A_333 : i32 to vector<16xi32>
      %shift_left3A_335 = arith.shli %gather3A_323, %shift_left3A_334 : vector<16xi32>
      %select_n3A_336 = arith.select %eq3A_329, %and3A_332, %shift_left3A_335 : vector<16xi1>, vector<16xi32>
      %bitcast3A_337 = vector.bitcast %select_n3A_336 : vector<16xi32> to vector<16xf32>
      %add3A_338 = arith.addf %add3A_276, %bitcast3A_337 : vector<16xf32>
      %get3A_339 = arith.constant 3 : i32
      %get3A_340 = arith.index_cast %scan3A_155 : i32 to index
      %get3A_341 = arith.index_cast %get3A_339 : i32 to index
      %get3A_342 = arith.constant 0 : index
      %get3A_343 = tpu.vector_load %arg8[%get3A_340, %get3A_341, %get3A_342] {strides = array<i32>} : memref<25x8x32xi32, #tpu.memory_space<vmem>>, vector<16xi32>,
      %shift_right_arithmetic3A_344 = arith.constant 5 : i32
      %shift_right_arithmetic3A_345 = vector.broadcast %shift_right_arithmetic3A_344 : i32 to vector<16xi32>
      %shift_right_arithmetic3A_346 = arith.shrsi %get3A_343, %shift_right_arithmetic3A_345 : vector<16xi32>
      %shift_left3A_347 = arith.constant 4 : i32
      %shift_left3A_348 = vector.broadcast %shift_left3A_347 : i32 to vector<16xi32>
      %shift_left3A_349 = arith.shli %shift_right_arithmetic3A_346, %shift_left3A_348 : vector<16xi32>
      %and3A_350 = arith.constant 15 : i32
      %and3A_351 = vector.broadcast %and3A_350 : i32 to vector<16xi32>
      %and3A_352 = arith.andi %get3A_343, %and3A_351 : vector<16xi32>
      %or3A_353 = arith.ori %shift_left3A_349, %and3A_352 : vector<16xi32>
      %gather3A_354 = tpu.vector_load_idx %arg7[%or3A_353] : memref<50000xi32, #tpu.memory_space<vmem>>[vector<16xi32>], vector<16xi32>,
      %and3A_355 = arith.constant 16 : i32
      %and3A_356 = vector.broadcast %and3A_355 : i32 to vector<16xi32>
      %and3A_357 = arith.andi %get3A_343, %and3A_356 : vector<16xi32>
      %eq3A_358 = arith.constant 16 : i32
      %eq3A_359 = vector.broadcast %eq3A_358 : i32 to vector<16xi32>
      %eq3A_360 = arith.cmpi eq, %and3A_357, %eq3A_359 : vector<16xi32>
      %and3A_361 = arith.constant -65536 : i32
      %and3A_362 = vector.broadcast %and3A_361 : i32 to vector<16xi32>
      %and3A_363 = arith.andi %gather3A_354, %and3A_362 : vector<16xi32>
      %shift_left3A_364 = arith.constant 16 : i32
      %shift_left3A_365 = vector.broadcast %shift_left3A_364 : i32 to vector<16xi32>
      %shift_left3A_366 = arith.shli %gather3A_354, %shift_left3A_365 : vector<16xi32>
      %select_n3A_367 = arith.select %eq3A_360, %and3A_363, %shift_left3A_366 : vector<16xi1>, vector<16xi32>
      %bitcast3A_368 = vector.bitcast %select_n3A_367 : vector<16xi32> to vector<16xf32>
      %add3A_369 = arith.addf %add3A_307, %bitcast3A_368 : vector<16xf32>
      %get3A_370 = arith.constant 3 : i32
      %get3A_371 = arith.index_cast %scan3A_155 : i32 to index
      %get3A_372 = arith.index_cast %get3A_370 : i32 to index
      %get3A_373 = arith.constant 16 : index
      %get3A_374 = tpu.vector_load %arg8[%get3A_371, %get3A_372, %get3A_373] {strides = array<i32>} : memref<25x8x32xi32, #tpu.memory_space<vmem>>, vector<16xi32>,
      %shift_right_arithmetic3A_375 = arith.constant 5 : i32
      %shift_right_arithmetic3A_376 = vector.broadcast %shift_right_arithmetic3A_375 : i32 to vector<16xi32>
      %shift_right_arithmetic3A_377 = arith.shrsi %get3A_374, %shift_right_arithmetic3A_376 : vector<16xi32>
      %shift_left3A_378 = arith.constant 4 : i32
      %shift_left3A_379 = vector.broadcast %shift_left3A_378 : i32 to vector<16xi32>
      %shift_left3A_380 = arith.shli %shift_right_arithmetic3A_377, %shift_left3A_379 : vector<16xi32>
      %and3A_381 = arith.constant 15 : i32
      %and3A_382 = vector.broadcast %and3A_381 : i32 to vector<16xi32>
      %and3A_383 = arith.andi %get3A_374, %and3A_382 : vector<16xi32>
      %or3A_384 = arith.ori %shift_left3A_380, %and3A_383 : vector<16xi32>
      %gather3A_385 = tpu.vector_load_idx %arg7[%or3A_384] : memref<50000xi32, #tpu.memory_space<vmem>>[vector<16xi32>], vector<16xi32>,
      %and3A_386 = arith.constant 16 : i32
      %and3A_387 = vector.broadcast %and3A_386 : i32 to vector<16xi32>
      %and3A_388 = arith.andi %get3A_374, %and3A_387 : vector<16xi32>
      %eq3A_389 = arith.constant 16 : i32
      %eq3A_390 = vector.broadcast %eq3A_389 : i32 to vector<16xi32>
      %eq3A_391 = arith.cmpi eq, %and3A_388, %eq3A_390 : vector<16xi32>
      %and3A_392 = arith.constant -65536 : i32
      %and3A_393 = vector.broadcast %and3A_392 : i32 to vector<16xi32>
      %and3A_394 = arith.andi %gather3A_385, %and3A_393 : vector<16xi32>
      %shift_left3A_395 = arith.constant 16 : i32
      %shift_left3A_396 = vector.broadcast %shift_left3A_395 : i32 to vector<16xi32>
      %shift_left3A_397 = arith.shli %gather3A_385, %shift_left3A_396 : vector<16xi32>
      %select_n3A_398 = arith.select %eq3A_391, %and3A_394, %shift_left3A_397 : vector<16xi1>, vector<16xi32>
      %bitcast3A_399 = vector.bitcast %select_n3A_398 : vector<16xi32> to vector<16xf32>
      %add3A_400 = arith.addf %add3A_338, %bitcast3A_399 : vector<16xf32>
      %get3A_401 = arith.constant 4 : i32
      %get3A_402 = arith.index_cast %scan3A_155 : i32 to index
      %get3A_403 = arith.index_cast %get3A_401 : i32 to index
      %get3A_404 = arith.constant 0 : index
      %get3A_405 = tpu.vector_load %arg8[%get3A_402, %get3A_403, %get3A_404] {strides = array<i32>} : memref<25x8x32xi32, #tpu.memory_space<vmem>>, vector<16xi32>,
      %shift_right_arithmetic3A_406 = arith.constant 5 : i32
      %shift_right_arithmetic3A_407 = vector.broadcast %shift_right_arithmetic3A_406 : i32 to vector<16xi32>
      %shift_right_arithmetic3A_408 = arith.shrsi %get3A_405, %shift_right_arithmetic3A_407 : vector<16xi32>
      %shift_left3A_409 = arith.constant 4 : i32
      %shift_left3A_410 = vector.broadcast %shift_left3A_409 : i32 to vector<16xi32>
      %shift_left3A_411 = arith.shli %shift_right_arithmetic3A_408, %shift_left3A_410 : vector<16xi32>
      %and3A_412 = arith.constant 15 : i32
      %and3A_413 = vector.broadcast %and3A_412 : i32 to vector<16xi32>
      %and3A_414 = arith.andi %get3A_405, %and3A_413 : vector<16xi32>
      %or3A_415 = arith.ori %shift_left3A_411, %and3A_414 : vector<16xi32>
      %gather3A_416 = tpu.vector_load_idx %arg7[%or3A_415] : memref<50000xi32, #tpu.memory_space<vmem>>[vector<16xi32>], vector<16xi32>,
      %and3A_417 = arith.constant 16 : i32
      %and3A_418 = vector.broadcast %and3A_417 : i32 to vector<16xi32>
      %and3A_419 = arith.andi %get3A_405, %and3A_418 : vector<16xi32>
      %eq3A_420 = arith.constant 16 : i32
      %eq3A_421 = vector.broadcast %eq3A_420 : i32 to vector<16xi32>
      %eq3A_422 = arith.cmpi eq, %and3A_419, %eq3A_421 : vector<16xi32>
      %and3A_423 = arith.constant -65536 : i32
      %and3A_424 = vector.broadcast %and3A_423 : i32 to vector<16xi32>
      %and3A_425 = arith.andi %gather3A_416, %and3A_424 : vector<16xi32>
      %shift_left3A_426 = arith.constant 16 : i32
      %shift_left3A_427 = vector.broadcast %shift_left3A_426 : i32 to vector<16xi32>
      %shift_left3A_428 = arith.shli %gather3A_416, %shift_left3A_427 : vector<16xi32>
      %select_n3A_429 = arith.select %eq3A_422, %and3A_425, %shift_left3A_428 : vector<16xi1>, vector<16xi32>
      %bitcast3A_430 = vector.bitcast %select_n3A_429 : vector<16xi32> to vector<16xf32>
      %add3A_431 = arith.addf %add3A_369, %bitcast3A_430 : vector<16xf32>
      %get3A_432 = arith.constant 4 : i32
      %get3A_433 = arith.index_cast %scan3A_155 : i32 to index
      %get3A_434 = arith.index_cast %get3A_432 : i32 to index
      %get3A_435 = arith.constant 16 : index
      %get3A_436 = tpu.vector_load %arg8[%get3A_433, %get3A_434, %get3A_435] {strides = array<i32>} : memref<25x8x32xi32, #tpu.memory_space<vmem>>, vector<16xi32>,
      %shift_right_arithmetic3A_437 = arith.constant 5 : i32
      %shift_right_arithmetic3A_438 = vector.broadcast %shift_right_arithmetic3A_437 : i32 to vector<16xi32>
      %shift_right_arithmetic3A_439 = arith.shrsi %get3A_436, %shift_right_arithmetic3A_438 : vector<16xi32>
      %shift_left3A_440 = arith.constant 4 : i32
      %shift_left3A_441 = vector.broadcast %shift_left3A_440 : i32 to vector<16xi32>
      %shift_left3A_442 = arith.shli %shift_right_arithmetic3A_439, %shift_left3A_441 : vector<16xi32>
      %and3A_443 = arith.constant 15 : i32
      %and3A_444 = vector.broadcast %and3A_443 : i32 to vector<16xi32>
      %and3A_445 = arith.andi %get3A_436, %and3A_444 : vector<16xi32>
      %or3A_446 = arith.ori %shift_left3A_442, %and3A_445 : vector<16xi32>
      %gather3A_447 = tpu.vector_load_idx %arg7[%or3A_446] : memref<50000xi32, #tpu.memory_space<vmem>>[vector<16xi32>], vector<16xi32>,
      %and3A_448 = arith.constant 16 : i32
      %and3A_449 = vector.broadcast %and3A_448 : i32 to vector<16xi32>
      %and3A_450 = arith.andi %get3A_436, %and3A_449 : vector<16xi32>
      %eq3A_451 = arith.constant 16 : i32
      %eq3A_452 = vector.broadcast %eq3A_451 : i32 to vector<16xi32>
      %eq3A_453 = arith.cmpi eq, %and3A_450, %eq3A_452 : vector<16xi32>
      %and3A_454 = arith.constant -65536 : i32
      %and3A_455 = vector.broadcast %and3A_454 : i32 to vector<16xi32>
      %and3A_456 = arith.andi %gather3A_447, %and3A_455 : vector<16xi32>
      %shift_left3A_457 = arith.constant 16 : i32
      %shift_left3A_458 = vector.broadcast %shift_left3A_457 : i32 to vector<16xi32>
      %shift_left3A_459 = arith.shli %gather3A_447, %shift_left3A_458 : vector<16xi32>
      %select_n3A_460 = arith.select %eq3A_453, %and3A_456, %shift_left3A_459 : vector<16xi1>, vector<16xi32>
      %bitcast3A_461 = vector.bitcast %select_n3A_460 : vector<16xi32> to vector<16xf32>
      %add3A_462 = arith.addf %add3A_400, %bitcast3A_461 : vector<16xf32>
      %get3A_463 = arith.constant 5 : i32
      %get3A_464 = arith.index_cast %scan3A_155 : i32 to index
      %get3A_465 = arith.index_cast %get3A_463 : i32 to index
      %get3A_466 = arith.constant 0 : index
      %get3A_467 = tpu.vector_load %arg8[%get3A_464, %get3A_465, %get3A_466] {strides = array<i32>} : memref<25x8x32xi32, #tpu.memory_space<vmem>>, vector<16xi32>,
      %shift_right_arithmetic3A_468 = arith.constant 5 : i32
      %shift_right_arithmetic3A_469 = vector.broadcast %shift_right_arithmetic3A_468 : i32 to vector<16xi32>
      %shift_right_arithmetic3A_470 = arith.shrsi %get3A_467, %shift_right_arithmetic3A_469 : vector<16xi32>
      %shift_left3A_471 = arith.constant 4 : i32
      %shift_left3A_472 = vector.broadcast %shift_left3A_471 : i32 to vector<16xi32>
      %shift_left3A_473 = arith.shli %shift_right_arithmetic3A_470, %shift_left3A_472 : vector<16xi32>
      %and3A_474 = arith.constant 15 : i32
      %and3A_475 = vector.broadcast %and3A_474 : i32 to vector<16xi32>
      %and3A_476 = arith.andi %get3A_467, %and3A_475 : vector<16xi32>
      %or3A_477 = arith.ori %shift_left3A_473, %and3A_476 : vector<16xi32>
      %gather3A_478 = tpu.vector_load_idx %arg7[%or3A_477] : memref<50000xi32, #tpu.memory_space<vmem>>[vector<16xi32>], vector<16xi32>,
      %and3A_479 = arith.constant 16 : i32
      %and3A_480 = vector.broadcast %and3A_479 : i32 to vector<16xi32>
      %and3A_481 = arith.andi %get3A_467, %and3A_480 : vector<16xi32>
      %eq3A_482 = arith.constant 16 : i32
      %eq3A_483 = vector.broadcast %eq3A_482 : i32 to vector<16xi32>
      %eq3A_484 = arith.cmpi eq, %and3A_481, %eq3A_483 : vector<16xi32>
      %and3A_485 = arith.constant -65536 : i32
      %and3A_486 = vector.broadcast %and3A_485 : i32 to vector<16xi32>
      %and3A_487 = arith.andi %gather3A_478, %and3A_486 : vector<16xi32>
      %shift_left3A_488 = arith.constant 16 : i32
      %shift_left3A_489 = vector.broadcast %shift_left3A_488 : i32 to vector<16xi32>
      %shift_left3A_490 = arith.shli %gather3A_478, %shift_left3A_489 : vector<16xi32>
      %select_n3A_491 = arith.select %eq3A_484, %and3A_487, %shift_left3A_490 : vector<16xi1>, vector<16xi32>
      %bitcast3A_492 = vector.bitcast %select_n3A_491 : vector<16xi32> to vector<16xf32>
      %add3A_493 = arith.addf %add3A_431, %bitcast3A_492 : vector<16xf32>
      %get3A_494 = arith.constant 5 : i32
      %get3A_495 = arith.index_cast %scan3A_155 : i32 to index
      %get3A_496 = arith.index_cast %get3A_494 : i32 to index
      %get3A_497 = arith.constant 16 : index
      %get3A_498 = tpu.vector_load %arg8[%get3A_495, %get3A_496, %get3A_497] {strides = array<i32>} : memref<25x8x32xi32, #tpu.memory_space<vmem>>, vector<16xi32>,
      %shift_right_arithmetic3A_499 = arith.constant 5 : i32
      %shift_right_arithmetic3A_500 = vector.broadcast %shift_right_arithmetic3A_499 : i32 to vector<16xi32>
      %shift_right_arithmetic3A_501 = arith.shrsi %get3A_498, %shift_right_arithmetic3A_500 : vector<16xi32>
      %shift_left3A_502 = arith.constant 4 : i32
      %shift_left3A_503 = vector.broadcast %shift_left3A_502 : i32 to vector<16xi32>
      %shift_left3A_504 = arith.shli %shift_right_arithmetic3A_501, %shift_left3A_503 : vector<16xi32>
      %and3A_505 = arith.constant 15 : i32
      %and3A_506 = vector.broadcast %and3A_505 : i32 to vector<16xi32>
      %and3A_507 = arith.andi %get3A_498, %and3A_506 : vector<16xi32>
      %or3A_508 = arith.ori %shift_left3A_504, %and3A_507 : vector<16xi32>
      %gather3A_509 = tpu.vector_load_idx %arg7[%or3A_508] : memref<50000xi32, #tpu.memory_space<vmem>>[vector<16xi32>], vector<16xi32>,
      %and3A_510 = arith.constant 16 : i32
      %and3A_511 = vector.broadcast %and3A_510 : i32 to vector<16xi32>
      %and3A_512 = arith.andi %get3A_498, %and3A_511 : vector<16xi32>
      %eq3A_513 = arith.constant 16 : i32
      %eq3A_514 = vector.broadcast %eq3A_513 : i32 to vector<16xi32>
      %eq3A_515 = arith.cmpi eq, %and3A_512, %eq3A_514 : vector<16xi32>
      %and3A_516 = arith.constant -65536 : i32
      %and3A_517 = vector.broadcast %and3A_516 : i32 to vector<16xi32>
      %and3A_518 = arith.andi %gather3A_509, %and3A_517 : vector<16xi32>
      %shift_left3A_519 = arith.constant 16 : i32
      %shift_left3A_520 = vector.broadcast %shift_left3A_519 : i32 to vector<16xi32>
      %shift_left3A_521 = arith.shli %gather3A_509, %shift_left3A_520 : vector<16xi32>
      %select_n3A_522 = arith.select %eq3A_515, %and3A_518, %shift_left3A_521 : vector<16xi1>, vector<16xi32>
      %bitcast3A_523 = vector.bitcast %select_n3A_522 : vector<16xi32> to vector<16xf32>
      %add3A_524 = arith.addf %add3A_462, %bitcast3A_523 : vector<16xf32>
      %get3A_525 = arith.constant 6 : i32
      %get3A_526 = arith.index_cast %scan3A_155 : i32 to index
      %get3A_527 = arith.index_cast %get3A_525 : i32 to index
      %get3A_528 = arith.constant 0 : index
      %get3A_529 = tpu.vector_load %arg8[%get3A_526, %get3A_527, %get3A_528] {strides = array<i32>} : memref<25x8x32xi32, #tpu.memory_space<vmem>>, vector<16xi32>,
      %shift_right_arithmetic3A_530 = arith.constant 5 : i32
      %shift_right_arithmetic3A_531 = vector.broadcast %shift_right_arithmetic3A_530 : i32 to vector<16xi32>
      %shift_right_arithmetic3A_532 = arith.shrsi %get3A_529, %shift_right_arithmetic3A_531 : vector<16xi32>
      %shift_left3A_533 = arith.constant 4 : i32
      %shift_left3A_534 = vector.broadcast %shift_left3A_533 : i32 to vector<16xi32>
      %shift_left3A_535 = arith.shli %shift_right_arithmetic3A_532, %shift_left3A_534 : vector<16xi32>
      %and3A_536 = arith.constant 15 : i32
      %and3A_537 = vector.broadcast %and3A_536 : i32 to vector<16xi32>
      %and3A_538 = arith.andi %get3A_529, %and3A_537 : vector<16xi32>
      %or3A_539 = arith.ori %shift_left3A_535, %and3A_538 : vector<16xi32>
      %gather3A_540 = tpu.vector_load_idx %arg7[%or3A_539] : memref<50000xi32, #tpu.memory_space<vmem>>[vector<16xi32>], vector<16xi32>,
      %and3A_541 = arith.constant 16 : i32
      %and3A_542 = vector.broadcast %and3A_541 : i32 to vector<16xi32>
      %and3A_543 = arith.andi %get3A_529, %and3A_542 : vector<16xi32>
      %eq3A_544 = arith.constant 16 : i32
      %eq3A_545 = vector.broadcast %eq3A_544 : i32 to vector<16xi32>
      %eq3A_546 = arith.cmpi eq, %and3A_543, %eq3A_545 : vector<16xi32>
      %and3A_547 = arith.constant -65536 : i32
      %and3A_548 = vector.broadcast %and3A_547 : i32 to vector<16xi32>
      %and3A_549 = arith.andi %gather3A_540, %and3A_548 : vector<16xi32>
      %shift_left3A_550 = arith.constant 16 : i32
      %shift_left3A_551 = vector.broadcast %shift_left3A_550 : i32 to vector<16xi32>
      %shift_left3A_552 = arith.shli %gather3A_540, %shift_left3A_551 : vector<16xi32>
      %select_n3A_553 = arith.select %eq3A_546, %and3A_549, %shift_left3A_552 : vector<16xi1>, vector<16xi32>
      %bitcast3A_554 = vector.bitcast %select_n3A_553 : vector<16xi32> to vector<16xf32>
      %add3A_555 = arith.addf %add3A_493, %bitcast3A_554 : vector<16xf32>
      %get3A_556 = arith.constant 6 : i32
      %get3A_557 = arith.index_cast %scan3A_155 : i32 to index
      %get3A_558 = arith.index_cast %get3A_556 : i32 to index
      %get3A_559 = arith.constant 16 : index
      %get3A_560 = tpu.vector_load %arg8[%get3A_557, %get3A_558, %get3A_559] {strides = array<i32>} : memref<25x8x32xi32, #tpu.memory_space<vmem>>, vector<16xi32>,
      %shift_right_arithmetic3A_561 = arith.constant 5 : i32
      %shift_right_arithmetic3A_562 = vector.broadcast %shift_right_arithmetic3A_561 : i32 to vector<16xi32>
      %shift_right_arithmetic3A_563 = arith.shrsi %get3A_560, %shift_right_arithmetic3A_562 : vector<16xi32>
      %shift_left3A_564 = arith.constant 4 : i32
      %shift_left3A_565 = vector.broadcast %shift_left3A_564 : i32 to vector<16xi32>
      %shift_left3A_566 = arith.shli %shift_right_arithmetic3A_563, %shift_left3A_565 : vector<16xi32>
      %and3A_567 = arith.constant 15 : i32
      %and3A_568 = vector.broadcast %and3A_567 : i32 to vector<16xi32>
      %and3A_569 = arith.andi %get3A_560, %and3A_568 : vector<16xi32>
      %or3A_570 = arith.ori %shift_left3A_566, %and3A_569 : vector<16xi32>
      %gather3A_571 = tpu.vector_load_idx %arg7[%or3A_570] : memref<50000xi32, #tpu.memory_space<vmem>>[vector<16xi32>], vector<16xi32>,
      %and3A_572 = arith.constant 16 : i32
      %and3A_573 = vector.broadcast %and3A_572 : i32 to vector<16xi32>
      %and3A_574 = arith.andi %get3A_560, %and3A_573 : vector<16xi32>
      %eq3A_575 = arith.constant 16 : i32
      %eq3A_576 = vector.broadcast %eq3A_575 : i32 to vector<16xi32>
      %eq3A_577 = arith.cmpi eq, %and3A_574, %eq3A_576 : vector<16xi32>
      %and3A_578 = arith.constant -65536 : i32
      %and3A_579 = vector.broadcast %and3A_578 : i32 to vector<16xi32>
      %and3A_580 = arith.andi %gather3A_571, %and3A_579 : vector<16xi32>
      %shift_left3A_581 = arith.constant 16 : i32
      %shift_left3A_582 = vector.broadcast %shift_left3A_581 : i32 to vector<16xi32>
      %shift_left3A_583 = arith.shli %gather3A_571, %shift_left3A_582 : vector<16xi32>
      %select_n3A_584 = arith.select %eq3A_577, %and3A_580, %shift_left3A_583 : vector<16xi1>, vector<16xi32>
      %bitcast3A_585 = vector.bitcast %select_n3A_584 : vector<16xi32> to vector<16xf32>
      %add3A_586 = arith.addf %add3A_524, %bitcast3A_585 : vector<16xf32>
      %get3A_587 = arith.constant 7 : i32
      %get3A_588 = arith.index_cast %scan3A_155 : i32 to index
      %get3A_589 = arith.index_cast %get3A_587 : i32 to index
      %get3A_590 = arith.constant 0 : index
      %get3A_591 = tpu.vector_load %arg8[%get3A_588, %get3A_589, %get3A_590] {strides = array<i32>} : memref<25x8x32xi32, #tpu.memory_space<vmem>>, vector<16xi32>,
      %shift_right_arithmetic3A_592 = arith.constant 5 : i32
      %shift_right_arithmetic3A_593 = vector.broadcast %shift_right_arithmetic3A_592 : i32 to vector<16xi32>
      %shift_right_arithmetic3A_594 = arith.shrsi %get3A_591, %shift_right_arithmetic3A_593 : vector<16xi32>
      %shift_left3A_595 = arith.constant 4 : i32
      %shift_left3A_596 = vector.broadcast %shift_left3A_595 : i32 to vector<16xi32>
      %shift_left3A_597 = arith.shli %shift_right_arithmetic3A_594, %shift_left3A_596 : vector<16xi32>
      %and3A_598 = arith.constant 15 : i32
      %and3A_599 = vector.broadcast %and3A_598 : i32 to vector<16xi32>
      %and3A_600 = arith.andi %get3A_591, %and3A_599 : vector<16xi32>
      %or3A_601 = arith.ori %shift_left3A_597, %and3A_600 : vector<16xi32>
      %gather3A_602 = tpu.vector_load_idx %arg7[%or3A_601] : memref<50000xi32, #tpu.memory_space<vmem>>[vector<16xi32>], vector<16xi32>,
      %and3A_603 = arith.constant 16 : i32
      %and3A_604 = vector.broadcast %and3A_603 : i32 to vector<16xi32>
      %and3A_605 = arith.andi %get3A_591, %and3A_604 : vector<16xi32>
      %eq3A_606 = arith.constant 16 : i32
      %eq3A_607 = vector.broadcast %eq3A_606 : i32 to vector<16xi32>
      %eq3A_608 = arith.cmpi eq, %and3A_605, %eq3A_607 : vector<16xi32>
      %and3A_609 = arith.constant -65536 : i32
      %and3A_610 = vector.broadcast %and3A_609 : i32 to vector<16xi32>
      %and3A_611 = arith.andi %gather3A_602, %and3A_610 : vector<16xi32>
      %shift_left3A_612 = arith.constant 16 : i32
      %shift_left3A_613 = vector.broadcast %shift_left3A_612 : i32 to vector<16xi32>
      %shift_left3A_614 = arith.shli %gather3A_602, %shift_left3A_613 : vector<16xi32>
      %select_n3A_615 = arith.select %eq3A_608, %and3A_611, %shift_left3A_614 : vector<16xi1>, vector<16xi32>
      %bitcast3A_616 = vector.bitcast %select_n3A_615 : vector<16xi32> to vector<16xf32>
      %add3A_617 = arith.addf %add3A_555, %bitcast3A_616 : vector<16xf32>
      %get3A_618 = arith.constant 7 : i32
      %get3A_619 = arith.index_cast %scan3A_155 : i32 to index
      %get3A_620 = arith.index_cast %get3A_618 : i32 to index
      %get3A_621 = arith.constant 16 : index
      %get3A_622 = tpu.vector_load %arg8[%get3A_619, %get3A_620, %get3A_621] {strides = array<i32>} : memref<25x8x32xi32, #tpu.memory_space<vmem>>, vector<16xi32>,
      %shift_right_arithmetic3A_623 = arith.constant 5 : i32
      %shift_right_arithmetic3A_624 = vector.broadcast %shift_right_arithmetic3A_623 : i32 to vector<16xi32>
      %shift_right_arithmetic3A_625 = arith.shrsi %get3A_622, %shift_right_arithmetic3A_624 : vector<16xi32>
      %shift_left3A_626 = arith.constant 4 : i32
      %shift_left3A_627 = vector.broadcast %shift_left3A_626 : i32 to vector<16xi32>
      %shift_left3A_628 = arith.shli %shift_right_arithmetic3A_625, %shift_left3A_627 : vector<16xi32>
      %and3A_629 = arith.constant 15 : i32
      %and3A_630 = vector.broadcast %and3A_629 : i32 to vector<16xi32>
      %and3A_631 = arith.andi %get3A_622, %and3A_630 : vector<16xi32>
      %or3A_632 = arith.ori %shift_left3A_628, %and3A_631 : vector<16xi32>
      %gather3A_633 = tpu.vector_load_idx %arg7[%or3A_632] : memref<50000xi32, #tpu.memory_space<vmem>>[vector<16xi32>], vector<16xi32>,
      %and3A_634 = arith.constant 16 : i32
      %and3A_635 = vector.broadcast %and3A_634 : i32 to vector<16xi32>
      %and3A_636 = arith.andi %get3A_622, %and3A_635 : vector<16xi32>
      %eq3A_637 = arith.constant 16 : i32
      %eq3A_638 = vector.broadcast %eq3A_637 : i32 to vector<16xi32>
      %eq3A_639 = arith.cmpi eq, %and3A_636, %eq3A_638 : vector<16xi32>
      %and3A_640 = arith.constant -65536 : i32
      %and3A_641 = vector.broadcast %and3A_640 : i32 to vector<16xi32>
      %and3A_642 = arith.andi %gather3A_633, %and3A_641 : vector<16xi32>
      %shift_left3A_643 = arith.constant 16 : i32
      %shift_left3A_644 = vector.broadcast %shift_left3A_643 : i32 to vector<16xi32>
      %shift_left3A_645 = arith.shli %gather3A_633, %shift_left3A_644 : vector<16xi32>
      %select_n3A_646 = arith.select %eq3A_639, %and3A_642, %shift_left3A_645 : vector<16xi1>, vector<16xi32>
      %bitcast3A_647 = vector.bitcast %select_n3A_646 : vector<16xi32> to vector<16xf32>
      %add3A_648 = arith.addf %add3A_586, %bitcast3A_647 : vector<16xf32>
      scf.yield %add3A_617, %add3A_648 : vector<16xf32>, vector<16xf32>
    }
    %scan3A_144 = arith.constant 25 : i32
    %add3A_145 = vector.broadcast %squeeze3A : f32 to vector<16xf32>
    %add3A_146 = arith.addf %scan3A_143#0, %add3A_145 : vector<16xf32>
    %swap3A = arith.constant 0 : index
    %swap3A_147 = tpu.vector_load %arg12[%swap3A] {strides = array<i32>} : memref<32xf32, #tpu.memory_space<vmem>>, vector<16xf32>,
    tpu.vector_store %arg12[%swap3A], %add3A_146 {strides = array<i32>} : memref<32xf32, #tpu.memory_space<vmem>>, vector<16xf32>,
    %add3A_148 = vector.broadcast %squeeze3A : f32 to vector<16xf32>
    %add3A_149 = arith.addf %scan3A_143#1, %add3A_148 : vector<16xf32>
    %swap3A_150 = arith.constant 16 : index
    %swap3A_151 = tpu.vector_load %arg12[%swap3A_150] {strides = array<i32>} : memref<32xf32, #tpu.memory_space<vmem>>, vector<16xf32>,
    tpu.vector_store %arg12[%swap3A_150], %add3A_149 {strides = array<i32>} : memref<32xf32, #tpu.memory_space<vmem>>, vector<16xf32>,
    %mul3A_152 = arith.constant 128 : i32
    %mul3A_153 = arith.muli %select_n3A, %mul3A_152 : i32
    %add3A_154 = arith.addi %mul3A_153, %mul3A_32 : i32
    %run_scoped3A = arith.constant 0 : i32
    "tpu.region"() ({
      %run_scoped3A_155 = tpu.sem_alloc : memref<!tpu.dma_semaphore, #tpu.memory_space<semaphore_mem>>
      %dma_start3A_156 = tpu.memref_slice %arg5[%run_scoped3A, %add3A_154] : memref<1x1024xf32, #tpu.memory_space<hbm>> -> memref<1x32xf32, #tpu.memory_space<hbm>>
      %dma_start3A_157 = tpu.memref_squeeze %dma_start3A_156 : memref<1x32xf32, #tpu.memory_space<hbm>> -> memref<32xf32, #tpu.memory_space<hbm>>
      %dma_start3A_158 = tpu.memref_slice %arg5[%run_scoped3A, %add3A_154] : memref<1x1024xf32, #tpu.memory_space<hbm>> -> memref<1x32xf32, #tpu.memory_space<hbm>>
      %dma_start3A_159 = tpu.memref_squeeze %dma_start3A_158 : memref<1x32xf32, #tpu.memory_space<hbm>> -> memref<32xf32, #tpu.memory_space<hbm>>
      tpu.enqueue_dma source(%arg12 : memref<32xf32, #tpu.memory_space<vmem>>) target(%dma_start3A_159 : memref<32xf32, #tpu.memory_space<hbm>>) target_semaphore(%run_scoped3A_155 : memref<!tpu.dma_semaphore, #tpu.memory_space<semaphore_mem>>)
      %dma_wait3A_160 = tpu.memref_slice %arg5[%run_scoped3A, %add3A_154] : memref<1x1024xf32, #tpu.memory_space<hbm>> -> memref<1x32xf32, #tpu.memory_space<hbm>>
      %dma_wait3A_161 = tpu.memref_squeeze %dma_wait3A_160 : memref<1x32xf32, #tpu.memory_space<hbm>> -> memref<32xf32, #tpu.memory_space<hbm>>
      %dma_wait3A_162 = tpu.memref_slice %arg5[%run_scoped3A, %add3A_154] : memref<1x1024xf32, #tpu.memory_space<hbm>> -> memref<1x32xf32, #tpu.memory_space<hbm>>
      %dma_wait3A_163 = tpu.memref_squeeze %dma_wait3A_162 : memref<1x32xf32, #tpu.memory_space<hbm>> -> memref<32xf32, #tpu.memory_space<hbm>>
      tpu.wait_dma2 semaphore(%run_scoped3A_155 : memref<!tpu.dma_semaphore, #tpu.memory_space<semaphore_mem>>) src(%arg12 : memref<32xf32, #tpu.memory_space<vmem>>) dst(%dma_wait3A_163 : memref<32xf32, #tpu.memory_space<hbm>>)
      tpu.yield
    }) : () -> ()
    return
  }
}

</mosaic_0001>

<sc_bundles>
// kernel: kernel.3.cloned.1.call-start
scs
__scs_entry_jumppad:
0x0: {  	(pc) =	sbr.rel $0x88, $3  }
0x1: {  	(tag) =	ssettag $0x0;
	lr =	simm.s32 $0x1  }
0x2: {  	[smem:$0x3F9E] =	sst lr;
	_ =	strace $0xD0000000  }
0x3: {  	_ = 	snop  }
0x4: {  	_ = 	snop  }
0x5: {  	_ = 	snop  }
0x6: {  	_ = 	snop  }
0x7: {  	_ = 	snop  }
__scs_overlays_trampoline_lowered:
0x8: {  	[smem:$0x3FAD] =	sst s0  }
0x9: {  	[smem:$0x3FAE] =	sst s1  }
0xa: {  	[smem:$0x3FAF] =	sst s2  }
0xb: {  	[smem:$0x3FB0] =	sst s3  }
0xc: {  	[smem:$0x3FB1] =	sst s4  }
0xd: {  	[smem:$0x3FB2] =	sst s5  }
0xe: {  	[smem:$0x3FB3] =	sst s6  }
0xf: {  	[smem:$0x3FB4] =	sst s7  }
0x10: {  	[smem:$0x3FB5] =	sst s8  }
0x11: {  	[smem:$0x3FB6] =	sst s9;
	s0 =	simm.s32 @!p0 $0x0  }
0x12: {  	s1 =	sld [smem:$0x3F9C];
	s0 =	simm.s32 @p0 $0x1  }
0x13: {  	[smem:$0x3FB7] =	sst s0;
	s0 =	simm.s32 @!p1 $0x0  }
0x14: {  	s2 =	sld [smem:$0x3F9B];
	s0 =	simm.s32 @p1 $0x1  }
0x15: {  	[smem:$0x3FB8] =	sst s0;
	s0 =	simm.s32 @!p2 $0x0  }
0x16: {  	s3 =	sld [smem:$0x3FDB];
	s0 =	simm.s32 @p2 $0x1  }
0x17: {  	s4 =	simm.s32 $0x1BF5;
	[smem:$0x3FBA] =	sst s0  }
0x18: {  	s0 =	sld [smem:$0x3F9D];
	_ =	swait.ge [sflag:s4], $0x0  }
0x19: {  	s7 =	sld [smem:$0x3F9E]  }
0x1a: {  	s8 =	sadd.s32 $0xFFFFE003, lr  }
0x1b: {  	s9 =	sadd.s32 $0xFFFFFEF7, lr;
	s5 =	simm.s32 $0xFFFFFFFF;
	p2 =	slt.u32 s8, $0xFFFFF086  }
0x1c: {  	p1 =	slt.u32 s9, $0xF7A;
	s5 =	simm.s32 @!p2 $0x0  }
0x1d: {  	s5 =	simm.s32 @p1 $0x1;
	p0 =	seq.s32 s7, s2  }
0x1e: {  	s7 =	smul.u32 @!p0 $0xF7A, s2;
	p2 =	seq.s32 @!p0 s5, $0x0  }
0x1f: {  	s9 =	smul.u32 $0xF7A, s1;
	s8 =	simm.s32 @!p0 $0x1BF5;
	p2 =	por !p2, p0  }
0x20: {  	[sflag:s8] =	ssyncset.s32 @!p0 $0xFFFFF086;
	s6 =	sadd.s32 @!p0 s3, s7;
	s7 =	simm.s32 @!p0 $0x108  }
0x21: {  	s3 =	sadd.s32 s3, s9;
	s6 =	sadd.s32 @!p0 $0x88, s6;
	s7 =	simm.s32 @p2 $0x1082  }
0x22: {  	[simem:s7], [sflag:s8] =	dma.local @!p0 [hbm:s6], $0xF7A  }
0x23: {  	s9 =	sor.u32 $0xD0000000, s2;
	s6 =	simm.s32 $0x108;
	_ =	swait.ge @!p0 [sflag:s8], $0x0  }
0x24: {  	s3 =	sadd.s32 $0x88, s3;
	s6 =	simm.s32 @!p1 $0x1082;
	[sflag:s4] =	ssyncset.s32 $0xFFFFF086  }
0x25: {  	[simem:s6], [sflag:s4] =	dma.local [hbm:s3], $0xF7A  }
0x26: {  	[smem:$0x3F9E] =	sst s1;
	(tag) =	ssettag s2;
	_ =	strace s9  }
0x27: {  	s1 =	sld [smem:$0x3FAE]  }
0x28: {  	s2 =	sld [smem:$0x3FAF]  }
0x29: {  	s4 =	sld [smem:$0x3FB1]  }
0x2a: {  	p0 =	seq.s32 s5, $0x0;
	s5 =	sld [smem:$0x3FB2]  }
0x2b: {  	s6 =	sld [smem:$0x3FB3]  }
0x2c: {  	s7 =	sld [smem:$0x3FB4]  }
0x2d: {  	s3 =	simm.s32 $0x108;
	s8 =	sld [smem:$0x3FB5]  }
0x2e: {  	s3 =	simm.s32 @!p0 $0x1082;
	s9 =	sld [smem:$0x3FB6]  }
0x2f: {  	lr =	sadd.s32 s0, s3;
	s0 =	sld [smem:$0x3FAD]  }
0x30: {  	s3 =	sld [smem:$0x3FB0]  }
0x31: {  	[smem:$0x3FB9] =	sst s10  }
0x32: {  	s10 =	sld [smem:$0x3FB7];
	_ =	sdelay $0x3  }
0x33: {  	p0 =	seq.s32 s10, $0x1;
	s10 =	sld [smem:$0x3FB9];
	_ =	sdelay $0x3  }
0x34: {  	[smem:$0x3FB9] =	sst s10  }
0x35: {  	s10 =	sld [smem:$0x3FB8];
	_ =	sdelay $0x3  }
0x36: {  	p1 =	seq.s32 s10, $0x1;
	s10 =	sld [smem:$0x3FB9];
	_ =	sdelay $0x3  }
0x37: {  	[smem:$0x3FB9] =	sst s10  }
0x38: {  	s10 =	sld [smem:$0x3FBA]  }
0x39: {  	_ = 	snop;
	(pc) =	sbr.ind lr, $3  }
0x3a: {  	_ = 	snop  }
0x3b: {  	_ = 	snop  }
0x3c: {  	p2 =	seq.s32 s10, $0x1;
	s10 =	sld [smem:$0x3FB9]  }
0x3d: {  	_ =	shalt  }
0x3e: {  	_ =	shalt  }
0x3f: {  	_ =	shalt  }
0x40: {  	_ =	shalt  }
0x41: {  	_ =	shalt  }
0x42: {  	_ =	shalt  }
0x43: {  	_ =	shalt  }
0x44: {  	_ =	shalt  }
0x45: {  	_ =	shalt  }
0x46: {  	_ =	shalt  }
0x47: {  	_ =	shalt  }
0x48: {  	_ =	shalt  }
0x49: {  	_ =	shalt  }
0x4a: {  	_ =	shalt  }
0x4b: {  	_ =	shalt  }
0x4c: {  	_ =	shalt  }
0x4d: {  	_ =	shalt  }
0x4e: {  	_ =	shalt  }
0x4f: {  	_ =	shalt  }
0x50: {  	_ =	shalt  }
0x51: {  	_ =	shalt  }
0x52: {  	_ =	shalt  }
0x53: {  	_ =	shalt  }
0x54: {  	_ =	shalt  }
0x55: {  	_ =	shalt  }
0x56: {  	_ =	shalt  }
0x57: {  	_ =	shalt  }
0x58: {  	_ =	shalt  }
0x59: {  	_ =	shalt  }
0x5a: {  	_ =	shalt  }
0x5b: {  	_ =	shalt  }
0x5c: {  	_ =	shalt  }
0x5d: {  	_ =	shalt  }
0x5e: {  	_ =	shalt  }
0x5f: {  	_ =	shalt  }
0x60: {  	_ =	shalt  }
0x61: {  	_ =	shalt  }
0x62: {  	_ =	shalt  }
0x63: {  	_ =	shalt  }
0x64: {  	_ =	shalt  }
0x65: {  	_ =	shalt  }
0x66: {  	_ =	shalt  }
0x67: {  	_ =	shalt  }
0x68: {  	_ =	shalt  }
0x69: {  	_ =	shalt  }
0x6a: {  	_ =	shalt  }
0x6b: {  	_ =	shalt  }
0x6c: {  	_ =	shalt  }
0x6d: {  	_ =	shalt  }
0x6e: {  	_ =	shalt  }
0x6f: {  	_ =	shalt  }
0x70: {  	_ =	shalt  }
0x71: {  	_ =	shalt  }
0x72: {  	_ =	shalt  }
0x73: {  	_ =	shalt  }
0x74: {  	_ =	shalt  }
0x75: {  	_ =	shalt  }
0x76: {  	_ =	shalt  }
0x77: {  	_ =	shalt  }
0x78: {  	_ =	shalt  }
0x79: {  	_ =	shalt  }
0x7a: {  	_ =	shalt  }
0x7b: {  	_ =	shalt  }
0x7c: {  	_ =	shalt  }
0x7d: {  	_ =	shalt  }
0x7e: {  	_ =	shalt  }
0x7f: {  	_ =	shalt  }
0x80: {  	_ =	shalt  }
0x81: {  	_ =	shalt  }
0x82: {  	_ =	shalt  }
0x83: {  	_ =	shalt  }
0x84: {  	_ =	shalt  }
0x85: {  	_ =	shalt  }
0x86: {  	_ =	shalt  }
0x87: {  	_ =	shalt  }
.Lfunc_end0:
.L_simem_size_0:
called_computation_lowered:
.L_overlay_start_0:
0x88: {  	s2 =	sld [smem:$0x3FD9]  }
0x89: {  	s3 =	sld [smem:$0x3FFE];
	_ =	sdelay $0x1  }
0x8a: {  	s1 =	srdreg.scid  }
0x8b: {  	s0 =	sand.u32 $0x1, s1  }
0x8c: {  	s17 =	sshll.u32 s0, $0xA;
	s2 =	sadd.s32 s3, s2  }
0x8d: {  	s2 =	sadd.s32 s2, s17  }
0x8e: {  	[smem:$0x3FC5] =	sst s2  }
0x8f: {  	_ = 	snop  }
0x90: {  	s2 =	sld [smem:$0x3FC9]  }
0x91: {  	s18 =	sld [smem:$0x3FC7]  }
0x92: {  	s4 =	sld [smem:$0x3FD0];
	(tm) =	ssettm $0x1  }
0x93: {  	s5 =	sld [smem:$0x3FFB];
	_ =	sdelay $0x3  }
0x94: {  	_ =	strace s5  }
0x95: {  	s5 =	sld [smem:$0x3FFC];
	_ =	sdelay $0x3  }
0x96: {  	_ =	strace s5  }
0x97: {  	s5 =	sld [smem:$0x3FFD];
	_ =	sdelay $0x3  }
0x98: {  	_ =	strace s5  }
0x99: {  	_ =	strace $0x8FFFFFFF  }
0x9a: {  	s19 =	sld [smem:$0x3FDB];
	_ =	sdelay $0x1  }
0x9b: {  	s6 =	simm.s32 $_scs_section_size  }
0x9c: {  	s7 =	simm.s32 $_size__tile_overlayer_lowered;
	s8 =	simm.s32 $_tile_overlayer_lowered  }
0x9d: {  	s22 =	simm.s32 $0x1BFF;
	s21 =	sshll.u32 s8, $0x1;
	s5 =	sadd.s32 s6, s19  }
0x9e: {  	s9 =	simm.s32 $0x0;
	s20 =	sshll.u32 s7, $0x1;
	s7 =	sadd.s32 s21, s5  }
0x9f: {  	[timem:s9], [sflag:s22] =	dma.local [hbm:s7], s20  }
0xa0: {  	_ =	swait.ge [sflag:s22], s20  }
0xa1: {  	s6 =	ssub.s32 $0x0, s20;
	[sflag:s22] =	ssyncset.done $0x0  }
0xa2: {  	[sflag:s22] =	ssyncadd.s32 s6;
	_ =	sdelay $0x1  }
0xa3: {  	s23 =	simm.s32 $0x1B8B  }
0xa4: {  	_ =	swait.ge [sflag:s23], $0x1  }
0xa5: {  	[sflag:s23] =	ssyncset.done $0x0  }
0xa6: {  	s25 =	simm.s32 $0x1B8E;
	s24 =	sld [smem:$0x3FFE];
	[sflag:s23] =	ssyncadd.s32 $0xFFFFFFFF  }
0xa7: {  	s26 =	simm.s32 $execute0_lowered;
	[smem:$0x3FD2] =	sst s25  }
0xa8: {  	s7 =	sshll.u32 s26, $0x1;
	_ =	strace $0x80000046;
	[dreg:$0x1] =	wrdreg $0xFFFFFFFF  }
0xa9: {  	s28 =	simm.s32 $_size_execute0_lowered;
	s5 =	sadd.s32 s5, s7;
	[dreg:$0x0] =	wrdreg $0x0  }
0xaa: {  	s7 =	sshll.u32 s28, $0x1;
	[dreg:$0x2] =	wrdreg s5  }
0xab: {  	[dreg:$0x3] =	wrdreg s7  }
0xac: {  	[dreg:$0x4] =	wrdreg $0xC0  }
0xad: {  	_ =	task [dreg:s9], $0x5FFFF  }
0xae: {  	[dreg:$0x1] =	wrdreg $0xFFFFFFFF  }
0xaf: {  	[dreg:$0x0] =	wrdreg $0x60  }
0xb0: {  	[dreg:$0x2] =	wrdreg s24  }
0xb1: {  	[dreg:$0x3] =	wrdreg s2  }
0xb2: {  	[dreg:$0x4] =	wrdreg s18  }
0xb3: {  	[dreg:$0x5] =	wrdreg s4  }
0xb4: {  	[dreg:$0x6] =	wrdreg $0x9  }
0xb5: {  	_ =	task.clear_ibuf [dreg:s9], $0x7FFFF;
	_ =	strace $0x90000046  }
0xb6: {  	s29 =	simm.s32 $0x9;
	_ =	strace $0x80000048  }
0xb7: {  	_ =	swait.ge [sflag:s29], $0x1  }
0xb8: {  	[sflag:s29] =	ssyncadd.s32 $0xFFFFFFFF  }
0xb9: {  	_ =	strace $0x90000048  }
0xba: {  	_ =	sfence  }
0xbb: {  	s30 =	sld [smem:$0x0];
	_ =	sdelay $0x2  }
0xbc: {  	s31 =	sshll.u32 s1, $0xD;
	s1 =	sshrl.u32 s1, $0x2  }
0xbd: {  	s3 =	sand.u32 $0x4000, s31;
	s1 =	sadd.s32 s1, s30  }
0xbe: {  	s0 =	sor.u32 s3, s0;
	s1 =	sshll.u32 s1, $0x11  }
0xbf: {  	s0 =	sor.u32 s1, s0  }
0xc0: {  	s0 =	sadd.s32 $0x8F2B, s0  }
0xc1: {  	[sflag:s0] =	ssyncadd.remote.s32 $0x1  }
0xc2: {  	_ =	sfence.sel $0xFFFF  }
0xc3: {  	[dreg:$0x0] =	wrdreg $0xFFFFFFFF;
	(pc) =	sbr.abs _section_cstart, $3  }
0xc4: {  	[dreg:$0x1] =	wrdreg $0xFFFFFFFF  }
0xc5: {  	_ =	task.clear_ibuf [dreg:s9], $0x2FFFF;
	_ =	strace $0x9FFFFFFF  }
0xc6: {  	(tm) =	ssettm $0x7FFFFFFF  }
0xc7: {  	_ =	shalt  }
tec
execute0_lowered:
.L_overlay_start_1:
0x0: {  	(tag) =	ssettag $0x1  }
0x1: {  	s0 =	rddreg [dreg:$0x0]  }
0x2: {  	s1 =	rddreg [dreg:$0x1]  }
0x3: {  	s2 =	rddreg [dreg:$0x3]  }
0x4: {  	s3 =	simm.s32 $0x0;
	s4 =	srdreg.scid;
	s16 =	stileid.u32  }
0x5: {  	s28 =	simm.s32 $0x2;
	s29 =	simm.s32 $0xFB90;
	s30 =	simm.s32 $0x0  }
0x6: {  	[smem:$0x7FF] =	sst s3;
	s4 =	sand.u32 $0x1, s4;
	s9 =	smul.u32 $0x64, s16  }
0x7: {  	s7 =	sadd.s32 $0x400, s0;
	s6 =	sshll.u32 s16, $0x1;
	s15 =	smul.u32 $0x640, s16  }
0x8: {  	s0 =	sadd.s32 $0x3600, s0;
	s10 =	sshrl.u32 s16, $0x1;
	s19 =	smul.u32 $0x190, s16  }
0x9: {  	s16 =	smul.u32 $0x3200, s16;
	_ =	strace $0x80000047;
	s5 =	ssub.s32 $0x2, s4  }
0xa: {  	s6 =	sand.u32 $0x2, s6;
	s14 =	sshll.u32 s10, $0xA;
	s12 =	smul.u32 $0xC800, s4  }
0xb: {  	s25 =	sshll.u32 s10, $0x7;
	s8 =	sshrl.u32 s5, $0x1;
	s6 =	sor.u32 s4, s6  }
0xc: {  	s4 =	sadd.s32 $0x640, s9;
	s11 =	sshll.u32 s6, $0x5;
	s13 =	ssub.s32 s5, s8  }
0xd: {  	s18 =	sshll.u32 s4, $0x5;
	s20 =	sadd.s32 s15, s12;
	s22 =	sshrl.u32 s12, $0x3  }
0xe: {  	s15 =	sshll.u32 s4, $0x4;
	s6 =	sor.u32 s14, s11;
	s14 =	smin.u32 s18, $0x17A20  }
0xf: {  	s8 =	sshrl.u32 s20, $0x3;
	s9 =	sadd.s32 s0, s22;
	s23 =	sadd.s32 s12, s15  }
0x10: {  	s26 =	sor.u32 s25, s11;
	s13 =	smax.u32 s13, $0x1;
	s15 =	simm.s32 $0x20  }
0x11: {  	s18 =	simm.s32 $0xE8D0;
	s20 =	simm.s32 $0x6;
	s22 =	simm.s32 $0xF550  }
0x12: {  	s25 =	simm.s32 $0x3;
	s17 =	sshrl.u32 s6, $0x3;
	s21 =	sshrl.u32 s14, $0x3  }
0x13: {  	s6 =	sadd.s32 s7, s19;
	s8 =	sadd.s32 s0, s8;
	s24 =	sshll.u32 s14, $0x2  }
0x14: {  	s11 =	sadd.s32 $0xC80, s9;
	s19 =	simm.s32 $0xFBB0;
	s5 =	sadd.s32 s1, s17  }
0x15: {  	s7 =	sadd.s32 s7, s21;
	s1 =	sshrl.u32 s23, $0x3;
	s12 =	ssub.s32 s16, s24  }
0x16: {  	s16 =	simm.s32 $0x80;
	s17 =	simm.s32 $0xDC50;
	s21 =	simm.s32 $0x4  }
0x17: {  	s23 =	simm.s32 $0x5;
	s24 =	simm.s32 $0x6400;
	s31 =	sadd.s32 $0x32040, s12  }
0x18: {  	s10 =	sadd.s32 s0, s1;
	s0 =	sshrl.u32 s26, $0x3;
	s1 =	sshra.s32 s31, $0x2  }
0x19: {  	s26 =	simm.s32 $0x1;
	s12 =	sadd.s32 s2, s0;
	s2 =	sadd.s32 $0xE8D0, s1  }
.LBB2_1:
0x1a: {  	s0 =	simm.s32 $0x400;
	s1 =	sadd.s32 $0x0, s5;
	s14 =	simm.s32 $0xC350  }
.LBB2_2:
0x1b: {  	[tilespmem:s14], [sflag:$0x3] =	stream.strided.gather [hbm4b:s1+s15], $0x100, s16, s15, $0x38;
	[tilespmem:$0xFBC0] =	vst v63  }
0x1c: {  	s1 =	smov.u32 s0;
	p0 =	sne.s32 s0, $0x6000  }
.Ltmp0:
0x1d: {  	s0 =	sadd.s32 $0x400, s0;
	(pc) =	sbr.rel @p0 .LBB2_2-.Ltmp0, $3  }
0x1e: {  	_ =	sdelay $0x1  }
0x1f: {  	s14 =	sshra.s32 s1, $0x2  }
0x20: {  	s1 =	sadd.s32 s1, s5;
	s14 =	sadd.s32 $0xC350, s14  }
0x21: {  	[tilespmem:s14], [sflag:$0x3] =	stream.strided.gather [hbm4b:s1+s15], $0x100, s16, s15, $0x38;
	[tilespmem:$0xFBC0] =	vst v63  }
0x22: {  	s0 =	simm.s32 $0x0  }
0x23: {  	[tilespmem:s17], [sflag:$0x4] =	stream.linear.gather [hbm4b:s6+s0], $0xC80, $0x38;
	[tilespmem:$0xFBC0] =	vst v63  }
0x24: {  	_ = 	snop  }
0x25: {  	[tilespmem:s18], [sflag:$0x5] =	stream.linear.gather [hbm4b:s7+s0], $0xC80, $0x38;
	[tilespmem:$0xFBC0] =	vst v63  }
0x26: {  	s14 =	rddreg [dreg:$0x2]  }
0x27: {  	[tilespmem:s19], [sflag:$0x6] =	stream.linear.gather [hbm4b:s14+s0], $0x1, $0x38;
	[tilespmem:$0xFBC0] =	vst v63  }
0x28: {  	_ =	swait.ge [sflag:s20], $0x1  }
0x29: {  	[sflag:s20] =	ssyncset.done $0x0  }
0x2a: {  	[sflag:s20] =	ssyncadd.s32 $0xFFFFFFFF  }
0x2b: {  	_ =	swait.ge [sflag:s21], $0xC80  }
0x2c: {  	[sflag:s21] =	ssyncset.done $0x0  }
0x2d: {  	s31 =	simm.s32 $0xDC60;
	[sflag:s21] =	ssyncadd.s32 $0xFFFFF380  }
0x2e: {  	v0 =	vld [tilespmem:s31+$0xFFFFFFF0]  }
0x2f: {  	s14 =	simm.s32 $0x40;
	v1 =	vld [tilespmem:s31+$0x0]  }
.LBB2_4:
0x30: {  	p0 =	sne.s32 s14, $0x18C0;
	_ =	sdelay $0x3  }
0x31: {  	v2 =	vshrl.u32 v0, $0x10;
	v3 =	vshrl.u32 v1, $0x10  }
0x32: {  	v2 =	vand.u32 $0x1, v2;
	v3 =	vand.u32 $0x1, v3  }
0x33: {  	v0 =	vadd.s32 v2, v0;
	v1 =	vadd.s32 v3, v1  }
0x34: {  	v0 =	vadd.s32 $0x7FFF, v0;
	v1 =	vadd.s32 $0x7FFF, v1  }
.Ltmp1:
0x35: {  	v0 =	vshrl.u32 v0, $0x10;
	v1 =	vand.u32 $0xFFFF0000, v1;
	(pc) =	sbr.rel @p0 .LBB2_4-.Ltmp1, $4  }
0x36: {  	s1 =	sshra.s32 s0, $0x2;
	s0 =	smov.u32 s14;
	v0 =	vor.u32 v0, v1  }
0x37: {  	s31 =	sadd.s32 $0x20, s31;
	[tilespmem:s1+$0xF550] =	vst v0  }
0x38: {  	v0 =	vld [tilespmem:s31+$0xFFFFFFF0]  }
0x39: {  	s14 =	sadd.s32 $0x40, s14;
	v1 =	vld [tilespmem:s31+$0x0]  }
0x3a: {  	_ =	sdelay $0x3  }
0x3b: {  	v2 =	vshrl.u32 v0, $0x10;
	v3 =	vshrl.u32 v1, $0x10  }
0x3c: {  	v2 =	vand.u32 $0x1, v2;
	v3 =	vand.u32 $0x1, v3  }
0x3d: {  	v0 =	vadd.s32 v2, v0;
	v1 =	vadd.s32 v3, v1  }
0x3e: {  	v0 =	vadd.s32 $0x7FFF, v0;
	v1 =	vadd.s32 $0x7FFF, v1  }
0x3f: {  	v0 =	vshrl.u32 v0, $0x10;
	v1 =	vand.u32 $0xFFFF0000, v1  }
0x40: {  	s0 =	sshra.s32 s0, $0x2;
	v0 =	vor.u32 v0, v1  }
0x41: {  	s14 =	simm.s32 $0x0;
	[tilespmem:s0+$0xF550] =	vst v0  }
0x42: {  	[hbm4b:s8+s14] =	stream.linear.scatter [tilespmem:s22], [sflag:$0x6], $0x640, $0x38;
	[tilespmem:$0xFBC0] =	vst v63  }
0x43: {  	_ =	swait.ge [sflag:s20], $0x640  }
0x44: {  	[sflag:s20] =	ssyncset.done $0x0  }
0x45: {  	[sflag:s20] =	ssyncadd.s32 $0xFFFFF9C0  }
0x46: {  	[bflag:$0x0] =	sbarrier.arrive $0xFFFF  }
0x47: {  	[tilespmem:s14], [sflag:$0x1] =	stream.linear.gather [hbm4b:s9+s14], $0x6400, $0x38;
	[tilespmem:$0xFBC0] =	vst v63  }
0x48: {  	_ =	swait.ge [sflag:s23], $0xC80  }
0x49: {  	[sflag:s23] =	ssyncset.done $0x0  }
0x4a: {  	p0 =	sgt.u32 s4, $0xC34;
	[sflag:s23] =	ssyncadd.s32 $0xFFFFF380  }
0x4b: {  	v0 =	vld @!p0 [tilespmem:s2+$0xFFFFFFF0]  }
0x4c: {  	v1 =	vld @!p0 [tilespmem:s2+$0x0];
	_ =	sdelay $0x4  }
0x4d: {  	v2 =	vshrl.u32 @!p0 v0, $0x10;
	v3 =	vshrl.u32 @!p0 v1, $0x10  }
0x4e: {  	v2 =	vand.u32 @!p0 $0x1, v2;
	v3 =	vand.u32 @!p0 $0x1, v3  }
0x4f: {  	v0 =	vadd.s32 @!p0 v2, v0;
	v1 =	vadd.s32 @!p0 v3, v1  }
0x50: {  	v0 =	vadd.s32 @!p0 $0x7FFF, v0;
	v1 =	vadd.s32 @!p0 $0x7FFF, v1  }
0x51: {  	s31 =	sadd.s32 $0x1, s4;
	v0 =	vshrl.u32 @!p0 v0, $0x10;
	v1 =	vand.u32 @!p0 $0xFFFF0000, v1  }
0x52: {  	s1 =	simm.s32 @!p0 $0x0;
	s0 =	simm.s32 $0x40;
	s14 =	smov.u32 s2;
	v0 =	vor.u32 @!p0 v0, v1  }
.LBB2_6:
0x53: {  	[tilespmem:s1+$0xF550] =	vst @!p0 v0;
	p0 =	sgt.u32 s31, $0xC34;
	s14 =	sadd.s32 $0x20, s14;
	s1 =	smov.u32 s0  }
0x54: {  	s0 =	sadd.s32 $0x40, s0;
	v0 =	vld @!p0 [tilespmem:s14+$0xFFFFFFF0]  }
0x55: {  	p1 =	sne.s32 s0, $0x1900;
	v1 =	vld @!p0 [tilespmem:s14+$0x0];
	_ =	sdelay $0x4  }
0x56: {  	v2 =	vshrl.u32 @!p0 v0, $0x10;
	v3 =	vshrl.u32 @!p0 v1, $0x10  }
.Ltmp2:
0x57: {  	v2 =	vand.u32 @!p0 $0x1, v2;
	v3 =	vand.u32 @!p0 $0x1, v3;
	(pc) =	sbr.rel @p1 .LBB2_6-.Ltmp2, $4  }
0x58: {  	v0 =	vadd.s32 @!p0 v2, v0;
	v1 =	vadd.s32 @!p0 v3, v1  }
0x59: {  	v0 =	vadd.s32 @!p0 $0x7FFF, v0;
	v1 =	vadd.s32 @!p0 $0x7FFF, v1  }
0x5a: {  	v0 =	vshrl.u32 @!p0 v0, $0x10;
	v1 =	vand.u32 @!p0 $0xFFFF0000, v1  }
0x5b: {  	s31 =	sadd.s32 $0x1, s31;
	s1 =	sshra.s32 @!p0 s1, $0x2;
	v0 =	vor.u32 @!p0 v0, v1  }
0x5c: {  	[tilespmem:s1+$0xF550] =	vst @!p0 v0;
	s0 =	simm.s32 $0x0  }
0x5d: {  	[hbm4b:s10+s0] =	stream.linear.scatter [tilespmem:s22], [sflag:$0x6], $0x640, $0x38;
	[tilespmem:$0xFBC0] =	vst v63  }
0x5e: {  	_ =	swait.ge [sflag:s20], $0x640  }
0x5f: {  	[sflag:s20] =	ssyncset.done $0x0  }
0x60: {  	[sflag:s20] =	ssyncadd.s32 $0xFFFFF9C0  }
0x61: {  	[bflag:$0x0] =	sbarrier.arrive $0xFFFF  }
0x62: {  	[tilespmem:s24], [sflag:$0x2] =	stream.linear.gather [hbm4b:s11+s0], $0x5F50, $0x38;
	[tilespmem:$0xFBC0] =	vst v63  }
0x63: {  	_ =	swait.ge [sflag:s25], $0x1900  }
0x64: {  	[sflag:s25] =	ssyncset.done $0x0  }
0x65: {  	[sflag:s25] =	ssyncadd.s32 $0xFFFFE700  }
0x66: {  	_ =	swait.ge [sflag:s26], $0x6400  }
0x67: {  	[sflag:s26] =	ssyncset.done $0x0  }
0x68: {  	[sflag:s26] =	ssyncadd.s32 $0xFFFF9C00  }
0x69: {  	_ =	swait.ge [sflag:s28], $0x5F50  }
0x6a: {  	[sflag:s28] =	ssyncset.done $0x0  }
0x6b: {  	s14 =	simm.s32 $0x0;
	[sflag:s28] =	ssyncadd.s32 $0xFFFFA0B0  }
0x6c: {  	v0 =	vld [tilespmem:s14+$0xC430]  }
0x6d: {  	v2 =	vld [tilespmem:s14+$0xC440]  }
0x6e: {  	v5 =	vld [tilespmem:s14+$0xC410]  }
0x6f: {  	v6 =	vld [tilespmem:s14+$0xC420]  }
0x70: {  	v13 =	vld [tilespmem:s14+$0xC3F0]  }
0x71: {  	v14 =	vld [tilespmem:s14+$0xC400]  }
0x72: {  	v16 =	vld [tilespmem:s14+$0xC3D0]  }
0x73: {  	v18 =	vld [tilespmem:s14+$0xC3E0]  }
0x74: {  	v21 =	vld [tilespmem:s14+$0xC3B0]  }
0x75: {  	v24 =	vld [tilespmem:s14+$0xC3C0]  }
0x76: {  	v25 =	vld [tilespmem:s14+$0xC390]  }
0x77: {  	v28 =	vld [tilespmem:s14+$0xC3A0]  }
0x78: {  	v34 =	vld [tilespmem:s14+$0xC370]  }
0x79: {  	v1 =	vimm.f32 $0.0e+00;
	v36 =	vld [tilespmem:s14+$0xC380];
	v42 =	vand.u32 $0x10, v5  }
0x7a: {  	v40 =	vld [tilespmem:s14+$0xC350];
	v43 =	vand.u32 $0x10, v0;
	v44 =	vand.u32 $0x10, v2;
	v45 =	vand.u32 $0x10, v13  }
0x7b: {  	v48 =	vld [tilespmem:s14+$0xC360];
	v46 =	vand.u32 $0x10, v14;
	v47 =	vand.u32 $0x10, v6;
	v19 =	vand.u32 $0x10, v21  }
0x7c: {  	v23 =	vand.u32 $0x10, v16;
	v22 =	vand.u32 $0x10, v18;
	v17 =	vand.u32 $0x10, v25  }
0x7d: {  	v15 =	vand.u32 $0x10, v28;
	v20 =	vand.u32 $0x10, v24;
	v11 =	vand.u32 $0x10, v34  }
0x7e: {  	v49 =	vand.u32 $0xF, v0;
	v3 =	vand.u32 $0xF, v2;
	v10 =	vand.u32 $0x10, v36  }
0x7f: {  	v0 =	vshra.s32 v0, $0x1;
	v7 =	vshra.s32 v2, $0x1;
	v12 =	vand.u32 $0x10, v40  }
0x80: {  	v26 =	vand.u32 $0xF, v5;
	v4 =	vand.u32 $0xF, v6;
	v8 =	vand.u32 $0x10, v48  }
0x81: {  	v2 =	vshra.s32 v5, $0x1;
	v9 =	vshra.s32 v6, $0x1;
	v33 =	vshra.s32 v13, $0x1  }
0x82: {  	v29 =	vand.u32 $0xF, v13;
	v5 =	vand.u32 $0xF, v14;
	v27 =	vand.u32 $0xF, v16  }
0x83: {  	v6 =	vand.u32 $0xF, v18;
	v13 =	vshra.s32 v14, $0x1;
	v30 =	vand.u32 $0xF, v21  }
0x84: {  	v39 =	vshra.s32 v16, $0x1;
	v18 =	vshra.s32 v18, $0x1;
	v37 =	vshra.s32 v21, $0x1  }
0x85: {  	v16 =	vshra.s32 v24, $0x1;
	v14 =	vand.u32 $0xF, v24;
	v38 =	vshra.s32 v25, $0x1  }
0x86: {  	v35 =	vand.u32 $0xF, v25;
	v21 =	vand.u32 $0xF, v28;
	v32 =	vand.u32 $0xF, v34  }
0x87: {  	v25 =	vand.u32 $0xF, v36;
	v24 =	vshra.s32 v28, $0x1;
	v31 =	vand.u32 $0xF, v40  }
0x88: {  	v41 =	vshra.s32 v34, $0x1;
	v28 =	vshra.s32 v36, $0x1;
	v40 =	vshra.s32 v40, $0x1  }
0x89: {  	v36 =	vshra.s32 v48, $0x1;
	v34 =	vand.u32 $0xF, v48;
	vm2 =	veq.s32 v42, $0x0  }
0x8a: {  	vm0 =	veq.s32 v43, $0x0;
	vm1 =	veq.s32 v44, $0x0;
	vm4 =	veq.s32 v45, $0x0  }
0x8b: {  	vm3 =	veq.s32 v47, $0x0;
	v63 =	vand.u32 $0xFFFFFFF0, v0;
	vm5 =	veq.s32 v46, $0x0  }
0x8c: {  	s31 =	simm.s32 $0x400;
	v0 =	vld [tilespmem:$0xFBB0];
	v43 =	vand.u32 $0xFFFFFFF0, v2;
	v2 =	vimm.f32 $0.0e+00;
	v42 =	vor.u32 v49, v63  }
.LBB2_8:
0x8d: {  	p0 =	sne.s32 s31, $0x6000;
	vm6 =	veq.s32 v23, $0x0;
	v23 =	vand.u32 $0xFFFFFFF0, v33;
	v26 =	vor.u32 v26, v43  }
0x8e: {  	v33 =	vand.u32 $0xFFFFFFF0, v39;
	vm7 =	veq.s32 v22, $0x0;
	v22 =	vor.u32 v29, v23  }
0x8f: {  	vm8 =	veq.s32 v19, $0x0;
	v23 =	vand.u32 $0xFFFFFFF0, v37;
	v19 =	vor.u32 v27, v33  }
0x90: {  	vm9 =	veq.s32 v20, $0x0;
	v27 =	vand.u32 $0xFFFFFFF0, v38;
	v23 =	vor.u32 v30, v23  }
0x91: {  	v20 =	vand.u32 $0xFFFFFFF0, v41;
	vm10 =	veq.s32 v17, $0x0;
	v27 =	vor.u32 v35, v27;
	v17 =	vld.idx.msk [tilespmem:v42+s3+$0x0], $0xffff  }
0x92: {  	vm11 =	veq.s32 v15, $0x0;
	v29 =	vand.u32 $0xFFFFFFF0, v40;
	v20 =	vor.u32 v32, v20;
	v15 =	vld.idx.msk [tilespmem:v26+s3+$0x0], $0xffff  }
0x93: {  	vm12 =	veq.s32 v11, $0x0;
	v26 =	vor.u32 v31, v29;
	v29 =	vand.u32 $0xFFFFFFF0, v36;
	v11 =	vld.idx.msk [tilespmem:v22+s3+$0x0], $0xffff  }
0x94: {  	v28 =	vand.u32 $0xFFFFFFF0, v28;
	vm13 =	veq.s32 v10, $0x0;
	v22 =	vor.u32 v34, v29;
	v10 =	vld.idx.msk [tilespmem:v19+s3+$0x0], $0xffff  }
0x95: {  	vm14 =	veq.s32 v12, $0x0;
	v7 =	vand.u32 $0xFFFFFFF0, v7;
	v12 =	vor.u32 v25, v28;
	v19 =	vld.idx.msk [tilespmem:v23+s3+$0x0], $0xffff  }
0x96: {  	vm15 =	veq.s32 v8, $0x0;
	v9 =	vand.u32 $0xFFFFFFF0, v9;
	v23 =	vand.u32 $0xFFFFFFF0, v24;
	v8 =	vld.idx.msk [tilespmem:v27+s3+$0x0], $0xffff  }
0x97: {  	v18 =	vand.u32 $0xFFFFFFF0, v18;
	v13 =	vand.u32 $0xFFFFFFF0, v13;
	v21 =	vor.u32 v21, v23;
	v20 =	vld.idx.msk [tilespmem:v20+s3+$0x0], $0xffff  }
0x98: {  	v16 =	vand.u32 $0xFFFFFFF0, v16;
	v4 =	vor.u32 v4, v9;
	v3 =	vor.u32 v3, v7;
	v23 =	vld.idx.msk [tilespmem:v26+s3+$0x0], $0xffff  }
0x99: {  	v9 =	vor.u32 v14, v16;
	v6 =	vor.u32 v6, v18;
	v5 =	vor.u32 v5, v13;
	v7 =	vld.idx.msk [tilespmem:v22+s3+$0x0], $0xffff  }
0x9a: {  	v14 =	vand.u32 $0xFFFF0000, v17;
	v16 =	vshll.u32 v17, $0x10;
	v13 =	vand.u32 $0xFFFF0000, v15;
	v12 =	vld.idx.msk [tilespmem:v12+s3+$0x0], $0xffff  }
0x9b: {  	v15 =	vshll.u32 v15, $0x10;
	v17 =	vand.u32 $0xFFFF0000, v11;
	v11 =	vshll.u32 v11, $0x10  }
0x9c: {  	v22 =	vand.u32 $0xFFFF0000, v10;
	v10 =	vshll.u32 v10, $0x10;
	v18 =	vld.idx.msk [tilespmem:v21+s3+$0x0], $0xffff;
	v21 =	vand.u32 $0xFFFF0000, v19  }
0x9d: {  	v24 =	vand.u32 $0xFFFF0000, v8;
	v8 =	vshll.u32 v8, $0x10;
	v19 =	vshll.u32 v19, $0x10  }
0x9e: {  	s0 =	sshra.s32 s31, $0x2;
	v26 =	vand.u32 $0xFFFF0000, v20;
	v20 =	vshll.u32 v20, $0x10;
	v25 =	vand.u32 $0xFFFF0000, v23;
	v9 =	vld.idx.msk [tilespmem:v9+s3+$0x0], $0xffff  }
0x9f: {  	v23 =	vshll.u32 v23, $0x10;
	v28 =	vand.u32 $0xFFFF0000, v7;
	v7 =	vshll.u32 v7, $0x10;
	v27 =	vld [tilespmem:s0+$0xC430]  }
0xa0: {  	v23 =	vsel vm14, v23, v25;
	v7 =	vsel vm15, v7, v28;
	v25 =	vand.u32 $0xFFFF0000, v12;
	v6 =	vld.idx.msk [tilespmem:v6+s3+$0x0], $0xffff  }
0xa1: {  	v1 =	vadd.f32 v23, v1;
	v2 =	vadd.f32 v7, v2;
	v7 =	vshll.u32 v12, $0x10;
	v28 =	vld [tilespmem:s0+$0xC440]  }
0xa2: {  	v12 =	vsel vm12, v20, v26;
	v7 =	vsel vm13, v7, v25;
	v20 =	vand.u32 $0xFFFF0000, v18;
	v5 =	vld.idx.msk [tilespmem:v5+s3+$0x0], $0xffff  }
0xa3: {  	v1 =	vadd.f32 v12, v1;
	v2 =	vadd.f32 v7, v2;
	v7 =	vshll.u32 v18, $0x10;
	v25 =	vld [tilespmem:s0+$0xC410]  }
0xa4: {  	v8 =	vsel vm10, v8, v24;
	v7 =	vsel vm11, v7, v20;
	v12 =	vand.u32 $0xFFFF0000, v9;
	v4 =	vld.idx.msk [tilespmem:v4+s3+$0x0], $0xffff  }
0xa5: {  	v1 =	vadd.f32 v8, v1;
	v2 =	vadd.f32 v7, v2;
	v7 =	vshll.u32 v9, $0x10;
	v18 =	vld [tilespmem:s0+$0xC420]  }
0xa6: {  	v8 =	vsel vm8, v19, v21;
	v7 =	vsel vm9, v7, v12;
	v9 =	vand.u32 $0xFFFF0000, v6;
	v3 =	vld.idx.msk [tilespmem:v3+s3+$0x0], $0xffff  }
0xa7: {  	v1 =	vadd.f32 v8, v1;
	v6 =	vshll.u32 v6, $0x10;
	v2 =	vadd.f32 v7, v2;
	v21 =	vld [tilespmem:s0+$0xC3F0]  }
0xa8: {  	v7 =	vsel vm6, v10, v22;
	v6 =	vsel vm7, v6, v9;
	v8 =	vand.u32 $0xFFFF0000, v5;
	v24 =	vld [tilespmem:s0+$0xC400]  }
0xa9: {  	v1 =	vadd.f32 v7, v1;
	v5 =	vshll.u32 v5, $0x10;
	v2 =	vadd.f32 v6, v2;
	v31 =	vld [tilespmem:s0+$0xC3D0]  }
0xaa: {  	v6 =	vsel vm4, v11, v17;
	v5 =	vsel vm5, v5, v8;
	v7 =	vand.u32 $0xFFFF0000, v4;
	v32 =	vld [tilespmem:s0+$0xC3E0]  }
0xab: {  	v1 =	vadd.f32 v6, v1;
	v4 =	vshll.u32 v4, $0x10;
	v2 =	vadd.f32 v5, v2;
	v34 =	vld [tilespmem:s0+$0xC3B0]  }
0xac: {  	v5 =	vsel vm2, v15, v13;
	v4 =	vsel vm3, v4, v7;
	v6 =	vand.u32 $0xFFFF0000, v3;
	v35 =	vld [tilespmem:s0+$0xC3C0]  }
0xad: {  	v1 =	vadd.f32 v5, v1;
	v3 =	vshll.u32 v3, $0x10;
	v2 =	vadd.f32 v4, v2;
	v36 =	vld [tilespmem:s0+$0xC390]  }
0xae: {  	v4 =	vsel vm0, v16, v14;
	v3 =	vsel vm1, v3, v6;
	v40 =	vld [tilespmem:s0+$0xC3A0]  }
0xaf: {  	v1 =	vadd.f32 v4, v1;
	v2 =	vadd.f32 v3, v2;
	v41 =	vld [tilespmem:s0+$0xC370]  }
0xb0: {  	v44 =	vand.u32 $0x10, v27;
	v45 =	vand.u32 $0x10, v28;
	v43 =	vand.u32 $0x10, v25;
	v42 =	vld [tilespmem:s0+$0xC380]  }
0xb1: {  	v49 =	vand.u32 $0x10, v18;
	v47 =	vand.u32 $0x10, v21;
	v48 =	vand.u32 $0x10, v24;
	v46 =	vld [tilespmem:s0+$0xC350]  }
0xb2: {  	v23 =	vand.u32 $0x10, v31;
	v22 =	vand.u32 $0x10, v32;
	v19 =	vand.u32 $0x10, v34;
	v50 =	vld [tilespmem:s0+$0xC360]  }
0xb3: {  	v20 =	vand.u32 $0x10, v35;
	v17 =	vand.u32 $0x10, v36;
	v15 =	vand.u32 $0x10, v40  }
0xb4: {  	v51 =	vand.u32 $0xF, v27;
	v3 =	vand.u32 $0xF, v28;
	v11 =	vand.u32 $0x10, v41  }
0xb5: {  	v52 =	vshra.s32 v27, $0x1;
	v7 =	vshra.s32 v28, $0x1;
	v10 =	vand.u32 $0x10, v42  }
0xb6: {  	v26 =	vand.u32 $0xF, v25;
	v4 =	vand.u32 $0xF, v18;
	v12 =	vand.u32 $0x10, v46  }
0xb7: {  	v53 =	vshra.s32 v25, $0x1;
	v9 =	vshra.s32 v18, $0x1;
	v8 =	vand.u32 $0x10, v50  }
0xb8: {  	v33 =	vshra.s32 v21, $0x1;
	v29 =	vand.u32 $0xF, v21;
	v5 =	vand.u32 $0xF, v24  }
0xb9: {  	v13 =	vshra.s32 v24, $0x1;
	v27 =	vand.u32 $0xF, v31;
	v6 =	vand.u32 $0xF, v32  }
0xba: {  	v39 =	vshra.s32 v31, $0x1;
	v18 =	vshra.s32 v32, $0x1;
	v30 =	vand.u32 $0xF, v34  }
0xbb: {  	v37 =	vshra.s32 v34, $0x1;
	v16 =	vshra.s32 v35, $0x1;
	v14 =	vand.u32 $0xF, v35  }
0xbc: {  	v38 =	vshra.s32 v36, $0x1;
	v35 =	vand.u32 $0xF, v36;
	v21 =	vand.u32 $0xF, v40  }
0xbd: {  	v24 =	vshra.s32 v40, $0x1;
	v32 =	vand.u32 $0xF, v41;
	v25 =	vand.u32 $0xF, v42  }
.Ltmp3:
0xbe: {  	v41 =	vshra.s32 v41, $0x1;
	v28 =	vshra.s32 v42, $0x1;
	v31 =	vand.u32 $0xF, v46;
	(pc) =	sbr.rel @p0 .LBB2_8-.Ltmp3, $4  }
0xbf: {  	v40 =	vshra.s32 v46, $0x1;
	v36 =	vshra.s32 v50, $0x1;
	v34 =	vand.u32 $0xF, v50  }
0xc0: {  	vm2 =	veq.s32 v43, $0x0;
	vm0 =	veq.s32 v44, $0x0;
	vm1 =	veq.s32 v45, $0x0  }
0xc1: {  	vm3 =	veq.s32 v49, $0x0;
	vm4 =	veq.s32 v47, $0x0;
	v42 =	vand.u32 $0xFFFFFFF0, v52  }
0xc2: {  	s31 =	sadd.s32 $0x400, s31;
	v43 =	vand.u32 $0xFFFFFFF0, v53;
	vm5 =	veq.s32 v48, $0x0;
	v42 =	vor.u32 v51, v42  }
0xc3: {  	vm6 =	veq.s32 v23, $0x0  }
0xc4: {  	v51 =	vand.u32 $0xFFFFFFF0, v33;
	v26 =	vor.u32 v26, v43;
	v52 =	vand.u32 $0xFFFFFFF0, v39  }
0xc5: {  	vm7 =	veq.s32 v22, $0x0;
	v54 =	vand.u32 $0xFFFFFFF0, v37;
	vm8 =	veq.s32 v19, $0x0  }
0xc6: {  	v56 =	vand.u32 $0xFFFFFFF0, v38;
	vm9 =	veq.s32 v20, $0x0;
	v53 =	vor.u32 v29, v51  }
0xc7: {  	v57 =	vand.u32 $0xFFFFFFF0, v41;
	vm10 =	veq.s32 v17, $0x0;
	v55 =	vor.u32 v27, v52  }
0xc8: {  	v58 =	vand.u32 $0xFFFFFFF0, v40;
	vm11 =	veq.s32 v15, $0x0;
	v23 =	vor.u32 v30, v54  }
0xc9: {  	v59 =	vld.idx.msk [tilespmem:v42+s3+$0x0], $0xffff;
	v60 =	vand.u32 $0xFFFFFFF0, v36;
	vm12 =	veq.s32 v11, $0x0;
	v27 =	vor.u32 v35, v56  }
0xca: {  	v63 =	vand.u32 $0xFFFFFFF0, v28;
	vm13 =	veq.s32 v10, $0x0;
	v17 =	vor.u32 v31, v58;
	v26 =	vld.idx.msk [tilespmem:v26+s3+$0x0], $0xffff  }
0xcb: {  	vm14 =	veq.s32 v12, $0x0;
	v7 =	vand.u32 $0xFFFFFFF0, v7;
	v20 =	vor.u32 v32, v57;
	v62 =	vld.idx.msk [tilespmem:v53+s3+$0x0], $0xffff  }
0xcc: {  	vm15 =	veq.s32 v8, $0x0;
	v33 =	vand.u32 $0xFFFFFFF0, v9;
	v61 =	vor.u32 v34, v60;
	v28 =	vld.idx.msk [tilespmem:v55+s3+$0x0], $0xffff  }
0xcd: {  	v18 =	vand.u32 $0xFFFFFFF0, v18;
	v13 =	vand.u32 $0xFFFFFFF0, v13;
	v30 =	vor.u32 v25, v63;
	v32 =	vld.idx.msk [tilespmem:v23+s3+$0x0], $0xffff  }
0xce: {  	v16 =	vand.u32 $0xFFFFFFF0, v16;
	v31 =	vand.u32 $0xFFFFFFF0, v24;
	v4 =	vor.u32 v4, v33;
	v35 =	vld.idx.msk [tilespmem:v27+s3+$0x0], $0xffff  }
0xcf: {  	v3 =	vor.u32 v3, v7;
	v36 =	vor.u32 v14, v16;
	v34 =	vor.u32 v21, v31;
	v17 =	vld.idx.msk [tilespmem:v17+s3+$0x0], $0xffff  }
0xd0: {  	v6 =	vor.u32 v6, v18;
	v5 =	vor.u32 v5, v13;
	v39 =	vand.u32 $0xFFFF0000, v59;
	v37 =	vld.idx.msk [tilespmem:v20+s3+$0x0], $0xffff  }
0xd1: {  	v40 =	vshll.u32 v59, $0x10;
	v11 =	vld.idx.msk [tilespmem:v61+s3+$0x0], $0xffff;
	v38 =	vand.u32 $0xFFFF0000, v26;
	v42 =	vshll.u32 v26, $0x10  }
0xd2: {  	v12 =	vld.idx.msk [tilespmem:v30+s3+$0x0], $0xffff;
	v41 =	vand.u32 $0xFFFF0000, v62;
	v15 =	vshll.u32 v62, $0x10;
	v43 =	vand.u32 $0xFFFF0000, v32  }
0xd3: {  	v44 =	vand.u32 $0xFFFF0000, v28;
	v10 =	vshll.u32 v28, $0x10;
	v45 =	vand.u32 $0xFFFF0000, v35  }
0xd4: {  	v9 =	vld.idx.msk [tilespmem:v34+s3+$0x0], $0xffff;
	v19 =	vshll.u32 v35, $0x10;
	v22 =	vshll.u32 v32, $0x10;
	v46 =	vand.u32 $0xFFFF0000, v17  }
0xd5: {  	v47 =	vand.u32 $0xFFFF0000, v37;
	v8 =	vshll.u32 v37, $0x10;
	v17 =	vshll.u32 v17, $0x10  }
0xd6: {  	v7 =	vld.idx.msk [tilespmem:v36+s3+$0x0], $0xffff;
	v48 =	vand.u32 $0xFFFF0000, v11;
	v11 =	vshll.u32 v11, $0x10;
	v17 =	vsel vm14, v17, v46  }
0xd7: {  	v49 =	vand.u32 $0xFFFF0000, v12;
	v11 =	vsel vm15, v11, v48;
	v1 =	vadd.f32 v17, v1  }
0xd8: {  	v6 =	vld.idx.msk [tilespmem:v6+s3+$0x0], $0xffff;
	v50 =	vshll.u32 v12, $0x10;
	v8 =	vsel vm12, v8, v47;
	v2 =	vadd.f32 v11, v2  }
0xd9: {  	v51 =	vand.u32 $0xFFFF0000, v9;
	v11 =	vsel vm13, v50, v49;
	v1 =	vadd.f32 v8, v1  }
0xda: {  	v5 =	vld.idx.msk [tilespmem:v5+s3+$0x0], $0xffff;
	v52 =	vshll.u32 v9, $0x10;
	v53 =	vsel vm10, v19, v45;
	v2 =	vadd.f32 v11, v2  }
0xdb: {  	v54 =	vand.u32 $0xFFFF0000, v7;
	v8 =	vsel vm11, v52, v51;
	v1 =	vadd.f32 v53, v1  }
0xdc: {  	v4 =	vld.idx.msk [tilespmem:v4+s3+$0x0], $0xffff;
	v7 =	vshll.u32 v7, $0x10;
	v55 =	vsel vm8, v22, v43;
	v2 =	vadd.f32 v8, v2  }
0xdd: {  	v56 =	vand.u32 $0xFFFF0000, v6;
	v7 =	vsel vm9, v7, v54;
	v1 =	vadd.f32 v55, v1  }
0xde: {  	v6 =	vshll.u32 v6, $0x10;
	v57 =	vsel vm6, v10, v44;
	v2 =	vadd.f32 v7, v2  }
0xdf: {  	v3 =	vld.idx.msk [tilespmem:v3+s3+$0x0], $0xffff;
	v58 =	vand.u32 $0xFFFF0000, v5;
	v6 =	vsel vm7, v6, v56;
	v1 =	vadd.f32 v57, v1  }
0xe0: {  	v5 =	vshll.u32 v5, $0x10;
	v59 =	vsel vm4, v15, v41;
	v2 =	vadd.f32 v6, v2  }
0xe1: {  	v60 =	vand.u32 $0xFFFF0000, v4;
	v5 =	vsel vm5, v5, v58;
	v1 =	vadd.f32 v59, v1  }
0xe2: {  	v4 =	vshll.u32 v4, $0x10;
	v61 =	vsel vm2, v42, v38;
	v2 =	vadd.f32 v5, v2  }
0xe3: {  	v63 =	vsel vm0, v40, v39;
	v4 =	vsel vm3, v4, v60;
	v1 =	vadd.f32 v61, v1  }
0xe4: {  	v62 =	vand.u32 $0xFFFF0000, v3;
	v3 =	vshll.u32 v3, $0x10;
	v2 =	vadd.f32 v4, v2  }
0xe5: {  	v0 =	vbroadcast v0, $0x0;
	v3 =	vsel vm1, v3, v62;
	v1 =	vadd.f32 v63, v1  }
0xe6: {  	v2 =	vadd.f32 v3, v2  }
0xe7: {  	v1 =	vadd.f32 v1, v0  }
0xe8: {  	s30 =	sadd.s32 $0x1, s30;
	v0 =	vadd.f32 v2, v0  }
0xe9: {  	p0 =	sne.s32 s30, s13;
	[tilespmem:$0xFB90] =	vst v1  }
.Ltmp4:
0xea: {  	[tilespmem:$0xFBA0] =	vst v0;
	(pc) =	sbr.rel @p0 .LBB2_1-.Ltmp4, $4  }
0xeb: {  	[hbm4b:s12+s3] =	stream.linear.scatter [tilespmem:s29], [sflag:$0x6], $0x20, $0x38;
	[tilespmem:$0xFBC0] =	vst v63  }
0xec: {  	_ =	swait.ge [sflag:s20], $0x20  }
0xed: {  	[sflag:s20] =	ssyncset.done $0x0  }
0xee: {  	[sflag:s20] =	ssyncadd.s32 $0xFFFFFFE0  }
0xef: {  	_ =	sfence.sel $0x180000  }
0xf0: {  	[bflag:$0x0] =	sbarrier.arrive $0xFFFF  }
0xf1: {  	_ =	strace $0x90000047  }
0xf2: {  	s0 =	stileid.u32;
	[bflag:$0x2] =	sbarrier.arrive $0xFFFF  }
0xf3: {  	p0 =	sne.s32 s0, $0x0;
	s0 =	rddreg [dreg:$0x4]  }
0xf4: {  	s0 =	sadd.s32 @!p0 $0x100000, s0  }
0xf5: {  	[sflag:s0] =	ssyncadd.tile.s32 @!p0 $0x1;
	_ =	shalt  }
.Lfunc_end2:
_tile_overlayer_lowered:
.L_overlay_start_2:
0xf6: {  	(tag) =	ssettag $0x2  }
0xf7: {  	s0 =	rddreg [dreg:$0x0];
	s2 =	stileid.u32  }
0xf8: {  	s1 =	rddreg [dreg:$0x1];
	p0 =	sne.s32 s2, $0x0  }
0xf9: {  	s3 =	rddreg [dreg:$0x2];
	[bflag:$0x3] =	sbarrier.arrive $0xFFFF;
	s2 =	simm.s32 @!p0 $0x1C06  }
0xfa: {  	[timem:s3], [sflag:s2] =	dma.local @!p0 [hbm:s0], s1  }
0xfb: {  	s0 =	simm.s32 @!p0 $0x6  }
0xfc: {  	_ =	swait.ge @!p0 [sflag:s0], s1  }
0xfd: {  	s1 =	ssub.s32 @!p0 $0x0, s1;
	[sflag:s0] =	ssyncset.done @!p0 $0x0  }
0xfe: {  	[sflag:s0] =	ssyncadd.s32 @!p0 s1  }
0xff: {  	[bflag:$0x3] =	sbarrier.arrive $0xFFFF  }
0x100: {  	_ =	shalt  }

</sc_bundles>
